<compile_context>
chip_gen: v7x
topology: tpu7x:2x2x1
jax: 0.10.2.dev20260603
libtpu: 0.0.44.dev20260713+nightly
codegen_flags: <defaults>
</compile_context>

<pallas_src>
import functools

import jax
import jax.numpy as jnp
from jax import lax
from jax.experimental import pallas as pl
from jax.experimental.pallas import tpu as pltpu
from jax.experimental.pallas import tpu_sc as plsc

_EPS = 1e-5
_H = 8
_PACK = 16
_LN = _PACK * _H


def _tables_body(x_ref, wa_ref, wb_ref, ta_ref, tb_ref):
    x = x_ref[:]
    ta_ref[:] = jnp.dot(x, wa_ref[:], preferred_element_type=jnp.float32,
                        precision=lax.Precision.HIGHEST)
    tb_ref[:] = jnp.dot(x, wb_ref[:], preferred_element_type=jnp.float32,
                        precision=lax.Precision.HIGHEST)


def _make_tables(x, w1a, w1b):
    n = x.shape[0]
    return pl.pallas_call(
        _tables_body,
        out_shape=[jax.ShapeDtypeStruct((n, _H), jnp.float32)] * 2,
    )(x, w1a, w1b)


def _sc_gather(ta, tb, start, end):
    info = plsc.get_sparse_core_info()
    nc, ns = info.num_cores, info.num_subcores
    nw = nc * ns
    e = start.shape[0]
    per_w = e // nw
    ch = 2000
    n_ch = per_w // ch
    assert per_w % ch == 0 and per_w % 8 == 0 and ch % 8 == 0

    mesh = plsc.VectorSubcoreMesh(core_axis_name="c", subcore_axis_name="s")

    @functools.partial(
        pl.kernel,
        mesh=mesh,
        compiler_params=pltpu.CompilerParams(use_tc_tiling_on_sc=False),
        out_type=[jax.ShapeDtypeStruct((e, _H), jnp.float32)] * 2,
        scratch_types=[
            pltpu.VMEM((ch,), jnp.int32),
            pltpu.VMEM((ch,), jnp.int32),
            pltpu.VMEM((ch, _H), jnp.float32),
            pltpu.VMEM((ch, _H), jnp.float32),
            pltpu.SemaphoreType.DMA,
            pltpu.SemaphoreType.DMA,
        ],
    )
    def gather_kernel(ta_hbm, tb_hbm, s_hbm, e_hbm, oa_hbm, ob_hbm,
                      sidx, eidx, arows, brows, sema, semb):
        wid = lax.axis_index("s") * nc + lax.axis_index("c")
        base = wid * per_w
        for k in range(n_ch):
            off = base + k * ch
            pltpu.sync_copy(s_hbm.at[pl.ds(off, ch)], sidx)
            pltpu.sync_copy(e_hbm.at[pl.ds(off, ch)], eidx)
            cpa = pltpu.async_copy(ta_hbm.at[sidx], arows, sema)
            cpb = pltpu.async_copy(tb_hbm.at[eidx], brows, semb)
            cpa.wait()
            cpb.wait()
            pltpu.sync_copy(arows, oa_hbm.at[pl.ds(off, ch)])
            pltpu.sync_copy(brows, ob_hbm.at[pl.ds(off, ch)])

    return gather_kernel(ta, tb, start, end)


def _mlp_body(sa_ref, sb_ref, m_ref, w2_ref, w3_ref, w4_ref, vec_ref,
              b4_ref, o_ref):
    f32 = jnp.float32
    m = m_ref[:]

    def dot(a, b):
        return jnp.dot(a, b, preferred_element_type=f32,
                       precision=lax.Precision.HIGHEST)

    def ln_tanh(y, gi, bi):
        mu = dot(y, m)
        d = y - mu
        v = dot(d * d, m)
        return jnp.tanh(d * lax.rsqrt(v + _EPS) * vec_ref[gi:gi + 1, :]
                        + vec_ref[bi:bi + 1, :])

    s = sa_ref[:] + sb_ref[:] + vec_ref[0:1, :]
    h = ln_tanh(s, 1, 2)
    h = ln_tanh(dot(h, w2_ref[:]) + vec_ref[3:4, :], 4, 5)
    h = ln_tanh(dot(h, w3_ref[:]) + vec_ref[6:7, :], 7, 8)
    o_ref[:] = dot(h, w4_ref[:]) + b4_ref[0]


def _mlp(sa2, sb2, m, w2bd, w3bd, w4bd, vecs, b4):
    r2, ln = sa2.shape
    br = 1000
    assert r2 % br == 0
    const = lambda i: (0, 0)
    return pl.pallas_call(
        _mlp_body,
        grid=(r2 // br,),
        in_specs=[
            pl.BlockSpec((br, ln), lambda i: (i, 0)),
            pl.BlockSpec((br, ln), lambda i: (i, 0)),
            pl.BlockSpec((ln, ln), const),
            pl.BlockSpec((ln, ln), const),
            pl.BlockSpec((ln, ln), const),
            pl.BlockSpec((ln, _PACK), const),
            pl.BlockSpec((16, ln), const),
            pl.BlockSpec(memory_space=pltpu.SMEM),
        ],
        out_specs=pl.BlockSpec((br, _PACK), lambda i: (i, 0)),
        out_shape=jax.ShapeDtypeStruct((r2, _PACK), jnp.float32),
    )(sa2, sb2, m, w2bd, w3bd, w4bd, vecs, b4)


def kernel(x, edge_index, W1, b1, g1, be1, W2, b2, g2, be2, W3, b3, g3, be3,
           W4, b4):
    n, d = x.shape
    e = edge_index.shape[1]

    ta, tb = _make_tables(x, W1[:d], W1[d:])
    sa, sb = _sc_gather(ta, tb, edge_index[0], edge_index[1])

    sa2 = sa.reshape(e // _PACK, _LN)
    sb2 = sb.reshape(e // _PACK, _LN)

    eye = jnp.eye(_PACK, dtype=jnp.float32)
    m = jnp.kron(eye, jnp.full((_H, _H), 1.0 / _H, jnp.float32))
    w2bd = jnp.kron(eye, W2)
    w3bd = jnp.kron(eye, W3)
    w4bd = jnp.kron(eye, W4)
    rows = [jnp.tile(v, _PACK) for v in (b1, g1, be1, b2, g2, be2, b3, g3, be3)]
    vecs = jnp.stack(rows + [jnp.zeros(_LN, jnp.float32)] * 7)

    out = _mlp(sa2, sb2, m, w2bd, w3bd, w4bd, vecs, b4)
    return out.reshape(e)

# --- scband reference (transcript-rebuilt; emitter-appended) ---
"""Pipeline reference for scband-edge-network-24524263260404 (READ-ONLY COPY).

The authoritative reference and input builder live on the scoring server;
editing this copy changes nothing except your own understanding.
"""

import jax, jax.numpy as jnp
import numpy as np

EPS = 1e-5

def layernorm(y, g, b):
    m = jnp.mean(y, axis=-1, keepdims=True)
    v = jnp.var(y, axis=-1, keepdims=True)
    return (y - m) / jnp.sqrt(v + EPS) * g + b

def setup_inputs(seed: int = 0) -> dict:
    key = jax.random.key(seed)
    ks = jax.random.split(key, 20)
    N, E, D, H = 10000, 320000, 128, 8
    x = jax.random.normal(ks[0], (N, D), dtype=jnp.float32)
    edge_index = jax.random.randint(ks[1], (2, E), 0, N, dtype=jnp.int32)
    def lin(k, fi, fo):
        k1, k2 = jax.random.split(k)
        bound = 1.0 / np.sqrt(fi)
        W = jax.random.uniform(k1, (fi, fo), jnp.float32, -bound, bound)
        b = jax.random.uniform(k2, (fo,), jnp.float32, -bound, bound)
        return W, b
    W1, b1 = lin(ks[2], 2 * D, H)
    W2, b2 = lin(ks[3], H, H)
    W3, b3 = lin(ks[4], H, H)
    W4, b4 = lin(ks[5], H, 1)
    g1, be1 = jnp.ones((H,), jnp.float32), jnp.zeros((H,), jnp.float32)
    g2, be2 = jnp.ones((H,), jnp.float32), jnp.zeros((H,), jnp.float32)
    g3, be3 = jnp.ones((H,), jnp.float32), jnp.zeros((H,), jnp.float32)
    return {"x": x, "edge_index": edge_index,
            "W1": W1, "b1": b1, "g1": g1, "be1": be1,
            "W2": W2, "b2": b2, "g2": g2, "be2": be2,
            "W3": W3, "b3": b3, "g3": g3, "be3": be3,
            "W4": W4, "b4": b4}

def reference(x, edge_index, W1, b1, g1, be1, W2, b2, g2, be2, W3, b3, g3, be3, W4, b4):
    start = edge_index[0]
    end = edge_index[1]
    edge_inputs = jnp.concatenate([jnp.take(x, start, axis=0), jnp.take(x, end, axis=0)], axis=1)
    h = jnp.tanh(layernorm(edge_inputs @ W1 + b1, g1, be1))
    h = jnp.tanh(layernorm(h @ W2 + b2, g2, be2))
    h = jnp.tanh(layernorm(h @ W3 + b3, g3, be3))
    out = (h @ W4 + b4)
    return jnp.squeeze(out, axis=-1)

if __name__ == "__main__":
    import jax
    _d = setup_inputs()
    print(jax.jit(kernel)(*tuple(_d.values())))

</pallas_src>

<mosaic_0001>
#map = affine_map<(d0, d1) -> (0, 0)>
#map1 = affine_map<(d0, d1) -> (0)>
module attributes {stable_mosaic.version = 14 : i64} {
  func.func @gather_kernel(%arg0: i32, %arg1: i32, %arg2: memref<10000x8xf32, #tpu.memory_space<hbm>>, %arg3: memref<10000x8xf32, #tpu.memory_space<hbm>>, %arg4: memref<320000xi32, #tpu.memory_space<hbm>>, %arg5: memref<320000xi32, #tpu.memory_space<hbm>>, %arg6: memref<320000x8xf32, #tpu.memory_space<hbm>>, %arg7: memref<320000x8xf32, #tpu.memory_space<hbm>>, %arg8: memref<2000xi32, #tpu.memory_space<vmem>>, %arg9: memref<2000xi32, #tpu.memory_space<vmem>>, %arg10: memref<2000x8xf32, #tpu.memory_space<vmem>>, %arg11: memref<2000x8xf32, #tpu.memory_space<vmem>>, %arg12: memref<!tpu.dma_semaphore, #tpu.memory_space<semaphore_mem>>, %arg13: memref<!tpu.dma_semaphore, #tpu.memory_space<semaphore_mem>>) attributes {dimension_semantics = [#tpu.dimension_semantics<core_parallel>, #tpu.dimension_semantics<subcore_parallel>], iteration_bounds = array<i64: 2, 16>, scalar_prefetch = 0 : i64, scratch_operands = 6 : i64, tpu.core_type = #tpu.core_type<sc_vector_subcore>, window_params = [{transform_indices = #map}, {transform_indices = #map}, {transform_indices = #map1}, {transform_indices = #map1}, {transform_indices = #map}, {transform_indices = #map}]} {
    %mul3A = arith.constant 2 : i32
    %mul3A_0 = arith.muli %arg1, %mul3A : i32
    %add3A = arith.addi %mul3A_0, %arg0 : i32
    %mul3A_1 = arith.constant 10000 : i32
    %mul3A_2 = arith.muli %add3A, %mul3A_1 : i32
    %add3A_3 = arith.constant 0 : i32
    %add3A_4 = arith.addi %mul3A_2, %add3A_3 : i32
    "tpu.region"() ({
      %run_scoped3A = tpu.sem_alloc : memref<!tpu.dma_semaphore, #tpu.memory_space<semaphore_mem>>
      %dma_start3A_71 = tpu.memref_slice %arg4[%add3A_4] : memref<320000xi32, #tpu.memory_space<hbm>> -> memref<2000xi32, #tpu.memory_space<hbm>>
      %dma_start3A_72 = tpu.memref_slice %arg4[%add3A_4] : memref<320000xi32, #tpu.memory_space<hbm>> -> memref<2000xi32, #tpu.memory_space<hbm>>
      tpu.enqueue_dma source(%dma_start3A_72 : memref<2000xi32, #tpu.memory_space<hbm>>) target(%arg8 : memref<2000xi32, #tpu.memory_space<vmem>>) target_semaphore(%run_scoped3A : memref<!tpu.dma_semaphore, #tpu.memory_space<semaphore_mem>>)
      %dma_wait3A_73 = tpu.memref_slice %arg4[%add3A_4] : memref<320000xi32, #tpu.memory_space<hbm>> -> memref<2000xi32, #tpu.memory_space<hbm>>
      %dma_wait3A_74 = tpu.memref_slice %arg4[%add3A_4] : memref<320000xi32, #tpu.memory_space<hbm>> -> memref<2000xi32, #tpu.memory_space<hbm>>
      tpu.wait_dma2 semaphore(%run_scoped3A : memref<!tpu.dma_semaphore, #tpu.memory_space<semaphore_mem>>) src(%dma_wait3A_74 : memref<2000xi32, #tpu.memory_space<hbm>>) dst(%arg8 : memref<2000xi32, #tpu.memory_space<vmem>>)
      tpu.yield
    }) : () -> ()
    "tpu.region"() ({
      %run_scoped3A = tpu.sem_alloc : memref<!tpu.dma_semaphore, #tpu.memory_space<semaphore_mem>>
      %dma_start3A_71 = tpu.memref_slice %arg5[%add3A_4] : memref<320000xi32, #tpu.memory_space<hbm>> -> memref<2000xi32, #tpu.memory_space<hbm>>
      %dma_start3A_72 = tpu.memref_slice %arg5[%add3A_4] : memref<320000xi32, #tpu.memory_space<hbm>> -> memref<2000xi32, #tpu.memory_space<hbm>>
      tpu.enqueue_dma source(%dma_start3A_72 : memref<2000xi32, #tpu.memory_space<hbm>>) target(%arg9 : memref<2000xi32, #tpu.memory_space<vmem>>) target_semaphore(%run_scoped3A : memref<!tpu.dma_semaphore, #tpu.memory_space<semaphore_mem>>)
      %dma_wait3A_73 = tpu.memref_slice %arg5[%add3A_4] : memref<320000xi32, #tpu.memory_space<hbm>> -> memref<2000xi32, #tpu.memory_space<hbm>>
      %dma_wait3A_74 = tpu.memref_slice %arg5[%add3A_4] : memref<320000xi32, #tpu.memory_space<hbm>> -> memref<2000xi32, #tpu.memory_space<hbm>>
      tpu.wait_dma2 semaphore(%run_scoped3A : memref<!tpu.dma_semaphore, #tpu.memory_space<semaphore_mem>>) src(%dma_wait3A_74 : memref<2000xi32, #tpu.memory_space<hbm>>) dst(%arg9 : memref<2000xi32, #tpu.memory_space<vmem>>)
      tpu.yield
    }) : () -> ()
    %dma_start3A = arith.constant 0 : i32
    %dma_start3A_5 = arith.constant 0 : i32
    %dma_start3A_6 = tpu.memref_slice %arg2[%dma_start3A, %dma_start3A_5] : memref<10000x8xf32, #tpu.memory_space<hbm>> -> memref<10000x8xf32, #tpu.memory_space<hbm>>
    tpu.enqueue_indirect_dma source(%dma_start3A_6 : memref<10000x8xf32, #tpu.memory_space<hbm>>) target(%arg10 : memref<2000x8xf32, #tpu.memory_space<vmem>>) offsets(%arg8 : memref<2000xi32, #tpu.memory_space<vmem>>) semaphore(%arg12 : memref<!tpu.dma_semaphore, #tpu.memory_space<semaphore_mem>>)
    %dma_start3A_7 = arith.constant 0 : i32
    %dma_start3A_8 = arith.constant 0 : i32
    %dma_start3A_9 = tpu.memref_slice %arg3[%dma_start3A_7, %dma_start3A_8] : memref<10000x8xf32, #tpu.memory_space<hbm>> -> memref<10000x8xf32, #tpu.memory_space<hbm>>
    tpu.enqueue_indirect_dma source(%dma_start3A_9 : memref<10000x8xf32, #tpu.memory_space<hbm>>) target(%arg11 : memref<2000x8xf32, #tpu.memory_space<vmem>>) offsets(%arg9 : memref<2000xi32, #tpu.memory_space<vmem>>) semaphore(%arg13 : memref<!tpu.dma_semaphore, #tpu.memory_space<semaphore_mem>>)
    %dma_wait3A = arith.constant 0 : i32
    %dma_wait3A_10 = arith.constant 0 : i32
    %dma_wait3A_11 = tpu.memref_slice %arg2[%dma_wait3A, %dma_wait3A_10] : memref<10000x8xf32, #tpu.memory_space<hbm>> -> memref<10000x8xf32, #tpu.memory_space<hbm>>
    tpu.wait_indirect_dma semaphore(%arg12 : memref<!tpu.dma_semaphore, #tpu.memory_space<semaphore_mem>>) src(%dma_wait3A_11 : memref<10000x8xf32, #tpu.memory_space<hbm>>) dst(%arg10 : memref<2000x8xf32, #tpu.memory_space<vmem>>)
    %dma_wait3A_12 = arith.constant 0 : i32
    %dma_wait3A_13 = arith.constant 0 : i32
    %dma_wait3A_14 = tpu.memref_slice %arg3[%dma_wait3A_12, %dma_wait3A_13] : memref<10000x8xf32, #tpu.memory_space<hbm>> -> memref<10000x8xf32, #tpu.memory_space<hbm>>
    tpu.wait_indirect_dma semaphore(%arg13 : memref<!tpu.dma_semaphore, #tpu.memory_space<semaphore_mem>>) src(%dma_wait3A_14 : memref<10000x8xf32, #tpu.memory_space<hbm>>) dst(%arg11 : memref<2000x8xf32, #tpu.memory_space<vmem>>)
    "tpu.region"() ({
      %run_scoped3A = tpu.sem_alloc : memref<!tpu.dma_semaphore, #tpu.memory_space<semaphore_mem>>
      %dma_start3A_71 = arith.constant 0 : i32
      %dma_start3A_72 = tpu.memref_slice %arg6[%add3A_4, %dma_start3A_71] : memref<320000x8xf32, #tpu.memory_space<hbm>> -> memref<2000x8xf32, #tpu.memory_space<hbm>>
      %dma_start3A_73 = arith.constant 0 : i32
      %dma_start3A_74 = tpu.memref_slice %arg6[%add3A_4, %dma_start3A_73] : memref<320000x8xf32, #tpu.memory_space<hbm>> -> memref<2000x8xf32, #tpu.memory_space<hbm>>
      tpu.enqueue_dma source(%arg10 : memref<2000x8xf32, #tpu.memory_space<vmem>>) target(%dma_start3A_74 : memref<2000x8xf32, #tpu.memory_space<hbm>>) target_semaphore(%run_scoped3A : memref<!tpu.dma_semaphore, #tpu.memory_space<semaphore_mem>>)
      %dma_wait3A_75 = arith.constant 0 : i32
      %dma_wait3A_76 = tpu.memref_slice %arg6[%add3A_4, %dma_wait3A_75] : memref<320000x8xf32, #tpu.memory_space<hbm>> -> memref<2000x8xf32, #tpu.memory_space<hbm>>
      %dma_wait3A_77 = arith.constant 0 : i32
      %dma_wait3A_78 = tpu.memref_slice %arg6[%add3A_4, %dma_wait3A_77] : memref<320000x8xf32, #tpu.memory_space<hbm>> -> memref<2000x8xf32, #tpu.memory_space<hbm>>
      tpu.wait_dma2 semaphore(%run_scoped3A : memref<!tpu.dma_semaphore, #tpu.memory_space<semaphore_mem>>) src(%arg10 : memref<2000x8xf32, #tpu.memory_space<vmem>>) dst(%dma_wait3A_78 : memref<2000x8xf32, #tpu.memory_space<hbm>>)
      tpu.yield
    }) : () -> ()
    "tpu.region"() ({
      %run_scoped3A = tpu.sem_alloc : memref<!tpu.dma_semaphore, #tpu.memory_space<semaphore_mem>>
      %dma_start3A_71 = arith.constant 0 : i32
      %dma_start3A_72 = tpu.memref_slice %arg7[%add3A_4, %dma_start3A_71] : memref<320000x8xf32, #tpu.memory_space<hbm>> -> memref<2000x8xf32, #tpu.memory_space<hbm>>
      %dma_start3A_73 = arith.constant 0 : i32
      %dma_start3A_74 = tpu.memref_slice %arg7[%add3A_4, %dma_start3A_73] : memref<320000x8xf32, #tpu.memory_space<hbm>> -> memref<2000x8xf32, #tpu.memory_space<hbm>>
      tpu.enqueue_dma source(%arg11 : memref<2000x8xf32, #tpu.memory_space<vmem>>) target(%dma_start3A_74 : memref<2000x8xf32, #tpu.memory_space<hbm>>) target_semaphore(%run_scoped3A : memref<!tpu.dma_semaphore, #tpu.memory_space<semaphore_mem>>)
      %dma_wait3A_75 = arith.constant 0 : i32
      %dma_wait3A_76 = tpu.memref_slice %arg7[%add3A_4, %dma_wait3A_75] : memref<320000x8xf32, #tpu.memory_space<hbm>> -> memref<2000x8xf32, #tpu.memory_space<hbm>>
      %dma_wait3A_77 = arith.constant 0 : i32
      %dma_wait3A_78 = tpu.memref_slice %arg7[%add3A_4, %dma_wait3A_77] : memref<320000x8xf32, #tpu.memory_space<hbm>> -> memref<2000x8xf32, #tpu.memory_space<hbm>>
      tpu.wait_dma2 semaphore(%run_scoped3A : memref<!tpu.dma_semaphore, #tpu.memory_space<semaphore_mem>>) src(%arg11 : memref<2000x8xf32, #tpu.memory_space<vmem>>) dst(%dma_wait3A_78 : memref<2000x8xf32, #tpu.memory_space<hbm>>)
      tpu.yield
    }) : () -> ()
    %add3A_15 = arith.constant 2000 : i32
    %add3A_16 = arith.addi %mul3A_2, %add3A_15 : i32
    "tpu.region"() ({
      %run_scoped3A = tpu.sem_alloc : memref<!tpu.dma_semaphore, #tpu.memory_space<semaphore_mem>>
      %dma_start3A_71 = tpu.memref_slice %arg4[%add3A_16] : memref<320000xi32, #tpu.memory_space<hbm>> -> memref<2000xi32, #tpu.memory_space<hbm>>
      %dma_start3A_72 = tpu.memref_slice %arg4[%add3A_16] : memref<320000xi32, #tpu.memory_space<hbm>> -> memref<2000xi32, #tpu.memory_space<hbm>>
      tpu.enqueue_dma source(%dma_start3A_72 : memref<2000xi32, #tpu.memory_space<hbm>>) target(%arg8 : memref<2000xi32, #tpu.memory_space<vmem>>) target_semaphore(%run_scoped3A : memref<!tpu.dma_semaphore, #tpu.memory_space<semaphore_mem>>)
      %dma_wait3A_73 = tpu.memref_slice %arg4[%add3A_16] : memref<320000xi32, #tpu.memory_space<hbm>> -> memref<2000xi32, #tpu.memory_space<hbm>>
      %dma_wait3A_74 = tpu.memref_slice %arg4[%add3A_16] : memref<320000xi32, #tpu.memory_space<hbm>> -> memref<2000xi32, #tpu.memory_space<hbm>>
      tpu.wait_dma2 semaphore(%run_scoped3A : memref<!tpu.dma_semaphore, #tpu.memory_space<semaphore_mem>>) src(%dma_wait3A_74 : memref<2000xi32, #tpu.memory_space<hbm>>) dst(%arg8 : memref<2000xi32, #tpu.memory_space<vmem>>)
      tpu.yield
    }) : () -> ()
    "tpu.region"() ({
      %run_scoped3A = tpu.sem_alloc : memref<!tpu.dma_semaphore, #tpu.memory_space<semaphore_mem>>
      %dma_start3A_71 = tpu.memref_slice %arg5[%add3A_16] : memref<320000xi32, #tpu.memory_space<hbm>> -> memref<2000xi32, #tpu.memory_space<hbm>>
      %dma_start3A_72 = tpu.memref_slice %arg5[%add3A_16] : memref<320000xi32, #tpu.memory_space<hbm>> -> memref<2000xi32, #tpu.memory_space<hbm>>
      tpu.enqueue_dma source(%dma_start3A_72 : memref<2000xi32, #tpu.memory_space<hbm>>) target(%arg9 : memref<2000xi32, #tpu.memory_space<vmem>>) target_semaphore(%run_scoped3A : memref<!tpu.dma_semaphore, #tpu.memory_space<semaphore_mem>>)
      %dma_wait3A_73 = tpu.memref_slice %arg5[%add3A_16] : memref<320000xi32, #tpu.memory_space<hbm>> -> memref<2000xi32, #tpu.memory_space<hbm>>
      %dma_wait3A_74 = tpu.memref_slice %arg5[%add3A_16] : memref<320000xi32, #tpu.memory_space<hbm>> -> memref<2000xi32, #tpu.memory_space<hbm>>
      tpu.wait_dma2 semaphore(%run_scoped3A : memref<!tpu.dma_semaphore, #tpu.memory_space<semaphore_mem>>) src(%dma_wait3A_74 : memref<2000xi32, #tpu.memory_space<hbm>>) dst(%arg9 : memref<2000xi32, #tpu.memory_space<vmem>>)
      tpu.yield
    }) : () -> ()
    %dma_start3A_17 = arith.constant 0 : i32
    %dma_start3A_18 = arith.constant 0 : i32
    %dma_start3A_19 = tpu.memref_slice %arg2[%dma_start3A_17, %dma_start3A_18] : memref<10000x8xf32, #tpu.memory_space<hbm>> -> memref<10000x8xf32, #tpu.memory_space<hbm>>
    tpu.enqueue_indirect_dma source(%dma_start3A_19 : memref<10000x8xf32, #tpu.memory_space<hbm>>) target(%arg10 : memref<2000x8xf32, #tpu.memory_space<vmem>>) offsets(%arg8 : memref<2000xi32, #tpu.memory_space<vmem>>) semaphore(%arg12 : memref<!tpu.dma_semaphore, #tpu.memory_space<semaphore_mem>>)
    %dma_start3A_20 = arith.constant 0 : i32
    %dma_start3A_21 = arith.constant 0 : i32
    %dma_start3A_22 = tpu.memref_slice %arg3[%dma_start3A_20, %dma_start3A_21] : memref<10000x8xf32, #tpu.memory_space<hbm>> -> memref<10000x8xf32, #tpu.memory_space<hbm>>
    tpu.enqueue_indirect_dma source(%dma_start3A_22 : memref<10000x8xf32, #tpu.memory_space<hbm>>) target(%arg11 : memref<2000x8xf32, #tpu.memory_space<vmem>>) offsets(%arg9 : memref<2000xi32, #tpu.memory_space<vmem>>) semaphore(%arg13 : memref<!tpu.dma_semaphore, #tpu.memory_space<semaphore_mem>>)
    %dma_wait3A_23 = arith.constant 0 : i32
    %dma_wait3A_24 = arith.constant 0 : i32
    %dma_wait3A_25 = tpu.memref_slice %arg2[%dma_wait3A_23, %dma_wait3A_24] : memref<10000x8xf32, #tpu.memory_space<hbm>> -> memref<10000x8xf32, #tpu.memory_space<hbm>>
    tpu.wait_indirect_dma semaphore(%arg12 : memref<!tpu.dma_semaphore, #tpu.memory_space<semaphore_mem>>) src(%dma_wait3A_25 : memref<10000x8xf32, #tpu.memory_space<hbm>>) dst(%arg10 : memref<2000x8xf32, #tpu.memory_space<vmem>>)
    %dma_wait3A_26 = arith.constant 0 : i32
    %dma_wait3A_27 = arith.constant 0 : i32
    %dma_wait3A_28 = tpu.memref_slice %arg3[%dma_wait3A_26, %dma_wait3A_27] : memref<10000x8xf32, #tpu.memory_space<hbm>> -> memref<10000x8xf32, #tpu.memory_space<hbm>>
    tpu.wait_indirect_dma semaphore(%arg13 : memref<!tpu.dma_semaphore, #tpu.memory_space<semaphore_mem>>) src(%dma_wait3A_28 : memref<10000x8xf32, #tpu.memory_space<hbm>>) dst(%arg11 : memref<2000x8xf32, #tpu.memory_space<vmem>>)
    "tpu.region"() ({
      %run_scoped3A = tpu.sem_alloc : memref<!tpu.dma_semaphore, #tpu.memory_space<semaphore_mem>>
      %dma_start3A_71 = arith.constant 0 : i32
      %dma_start3A_72 = tpu.memref_slice %arg6[%add3A_16, %dma_start3A_71] : memref<320000x8xf32, #tpu.memory_space<hbm>> -> memref<2000x8xf32, #tpu.memory_space<hbm>>
      %dma_start3A_73 = arith.constant 0 : i32
      %dma_start3A_74 = tpu.memref_slice %arg6[%add3A_16, %dma_start3A_73] : memref<320000x8xf32, #tpu.memory_space<hbm>> -> memref<2000x8xf32, #tpu.memory_space<hbm>>
      tpu.enqueue_dma source(%arg10 : memref<2000x8xf32, #tpu.memory_space<vmem>>) target(%dma_start3A_74 : memref<2000x8xf32, #tpu.memory_space<hbm>>) target_semaphore(%run_scoped3A : memref<!tpu.dma_semaphore, #tpu.memory_space<semaphore_mem>>)
      %dma_wait3A_75 = arith.constant 0 : i32
      %dma_wait3A_76 = tpu.memref_slice %arg6[%add3A_16, %dma_wait3A_75] : memref<320000x8xf32, #tpu.memory_space<hbm>> -> memref<2000x8xf32, #tpu.memory_space<hbm>>
      %dma_wait3A_77 = arith.constant 0 : i32
      %dma_wait3A_78 = tpu.memref_slice %arg6[%add3A_16, %dma_wait3A_77] : memref<320000x8xf32, #tpu.memory_space<hbm>> -> memref<2000x8xf32, #tpu.memory_space<hbm>>
      tpu.wait_dma2 semaphore(%run_scoped3A : memref<!tpu.dma_semaphore, #tpu.memory_space<semaphore_mem>>) src(%arg10 : memref<2000x8xf32, #tpu.memory_space<vmem>>) dst(%dma_wait3A_78 : memref<2000x8xf32, #tpu.memory_space<hbm>>)
      tpu.yield
    }) : () -> ()
    "tpu.region"() ({
      %run_scoped3A = tpu.sem_alloc : memref<!tpu.dma_semaphore, #tpu.memory_space<semaphore_mem>>
      %dma_start3A_71 = arith.constant 0 : i32
      %dma_start3A_72 = tpu.memref_slice %arg7[%add3A_16, %dma_start3A_71] : memref<320000x8xf32, #tpu.memory_space<hbm>> -> memref<2000x8xf32, #tpu.memory_space<hbm>>
      %dma_start3A_73 = arith.constant 0 : i32
      %dma_start3A_74 = tpu.memref_slice %arg7[%add3A_16, %dma_start3A_73] : memref<320000x8xf32, #tpu.memory_space<hbm>> -> memref<2000x8xf32, #tpu.memory_space<hbm>>
      tpu.enqueue_dma source(%arg11 : memref<2000x8xf32, #tpu.memory_space<vmem>>) target(%dma_start3A_74 : memref<2000x8xf32, #tpu.memory_space<hbm>>) target_semaphore(%run_scoped3A : memref<!tpu.dma_semaphore, #tpu.memory_space<semaphore_mem>>)
      %dma_wait3A_75 = arith.constant 0 : i32
      %dma_wait3A_76 = tpu.memref_slice %arg7[%add3A_16, %dma_wait3A_75] : memref<320000x8xf32, #tpu.memory_space<hbm>> -> memref<2000x8xf32, #tpu.memory_space<hbm>>
      %dma_wait3A_77 = arith.constant 0 : i32
      %dma_wait3A_78 = tpu.memref_slice %arg7[%add3A_16, %dma_wait3A_77] : memref<320000x8xf32, #tpu.memory_space<hbm>> -> memref<2000x8xf32, #tpu.memory_space<hbm>>
      tpu.wait_dma2 semaphore(%run_scoped3A : memref<!tpu.dma_semaphore, #tpu.memory_space<semaphore_mem>>) src(%arg11 : memref<2000x8xf32, #tpu.memory_space<vmem>>) dst(%dma_wait3A_78 : memref<2000x8xf32, #tpu.memory_space<hbm>>)
      tpu.yield
    }) : () -> ()
    %add3A_29 = arith.constant 4000 : i32
    %add3A_30 = arith.addi %mul3A_2, %add3A_29 : i32
    "tpu.region"() ({
      %run_scoped3A = tpu.sem_alloc : memref<!tpu.dma_semaphore, #tpu.memory_space<semaphore_mem>>
      %dma_start3A_71 = tpu.memref_slice %arg4[%add3A_30] : memref<320000xi32, #tpu.memory_space<hbm>> -> memref<2000xi32, #tpu.memory_space<hbm>>
      %dma_start3A_72 = tpu.memref_slice %arg4[%add3A_30] : memref<320000xi32, #tpu.memory_space<hbm>> -> memref<2000xi32, #tpu.memory_space<hbm>>
      tpu.enqueue_dma source(%dma_start3A_72 : memref<2000xi32, #tpu.memory_space<hbm>>) target(%arg8 : memref<2000xi32, #tpu.memory_space<vmem>>) target_semaphore(%run_scoped3A : memref<!tpu.dma_semaphore, #tpu.memory_space<semaphore_mem>>)
      %dma_wait3A_73 = tpu.memref_slice %arg4[%add3A_30] : memref<320000xi32, #tpu.memory_space<hbm>> -> memref<2000xi32, #tpu.memory_space<hbm>>
      %dma_wait3A_74 = tpu.memref_slice %arg4[%add3A_30] : memref<320000xi32, #tpu.memory_space<hbm>> -> memref<2000xi32, #tpu.memory_space<hbm>>
      tpu.wait_dma2 semaphore(%run_scoped3A : memref<!tpu.dma_semaphore, #tpu.memory_space<semaphore_mem>>) src(%dma_wait3A_74 : memref<2000xi32, #tpu.memory_space<hbm>>) dst(%arg8 : memref<2000xi32, #tpu.memory_space<vmem>>)
      tpu.yield
    }) : () -> ()
    "tpu.region"() ({
      %run_scoped3A = tpu.sem_alloc : memref<!tpu.dma_semaphore, #tpu.memory_space<semaphore_mem>>
      %dma_start3A_71 = tpu.memref_slice %arg5[%add3A_30] : memref<320000xi32, #tpu.memory_space<hbm>> -> memref<2000xi32, #tpu.memory_space<hbm>>
      %dma_start3A_72 = tpu.memref_slice %arg5[%add3A_30] : memref<320000xi32, #tpu.memory_space<hbm>> -> memref<2000xi32, #tpu.memory_space<hbm>>
      tpu.enqueue_dma source(%dma_start3A_72 : memref<2000xi32, #tpu.memory_space<hbm>>) target(%arg9 : memref<2000xi32, #tpu.memory_space<vmem>>) target_semaphore(%run_scoped3A : memref<!tpu.dma_semaphore, #tpu.memory_space<semaphore_mem>>)
      %dma_wait3A_73 = tpu.memref_slice %arg5[%add3A_30] : memref<320000xi32, #tpu.memory_space<hbm>> -> memref<2000xi32, #tpu.memory_space<hbm>>
      %dma_wait3A_74 = tpu.memref_slice %arg5[%add3A_30] : memref<320000xi32, #tpu.memory_space<hbm>> -> memref<2000xi32, #tpu.memory_space<hbm>>
      tpu.wait_dma2 semaphore(%run_scoped3A : memref<!tpu.dma_semaphore, #tpu.memory_space<semaphore_mem>>) src(%dma_wait3A_74 : memref<2000xi32, #tpu.memory_space<hbm>>) dst(%arg9 : memref<2000xi32, #tpu.memory_space<vmem>>)
      tpu.yield
    }) : () -> ()
    %dma_start3A_31 = arith.constant 0 : i32
    %dma_start3A_32 = arith.constant 0 : i32
    %dma_start3A_33 = tpu.memref_slice %arg2[%dma_start3A_31, %dma_start3A_32] : memref<10000x8xf32, #tpu.memory_space<hbm>> -> memref<10000x8xf32, #tpu.memory_space<hbm>>
    tpu.enqueue_indirect_dma source(%dma_start3A_33 : memref<10000x8xf32, #tpu.memory_space<hbm>>) target(%arg10 : memref<2000x8xf32, #tpu.memory_space<vmem>>) offsets(%arg8 : memref<2000xi32, #tpu.memory_space<vmem>>) semaphore(%arg12 : memref<!tpu.dma_semaphore, #tpu.memory_space<semaphore_mem>>)
    %dma_start3A_34 = arith.constant 0 : i32
    %dma_start3A_35 = arith.constant 0 : i32
    %dma_start3A_36 = tpu.memref_slice %arg3[%dma_start3A_34, %dma_start3A_35] : memref<10000x8xf32, #tpu.memory_space<hbm>> -> memref<10000x8xf32, #tpu.memory_space<hbm>>
    tpu.enqueue_indirect_dma source(%dma_start3A_36 : memref<10000x8xf32, #tpu.memory_space<hbm>>) target(%arg11 : memref<2000x8xf32, #tpu.memory_space<vmem>>) offsets(%arg9 : memref<2000xi32, #tpu.memory_space<vmem>>) semaphore(%arg13 : memref<!tpu.dma_semaphore, #tpu.memory_space<semaphore_mem>>)
    %dma_wait3A_37 = arith.constant 0 : i32
    %dma_wait3A_38 = arith.constant 0 : i32
    %dma_wait3A_39 = tpu.memref_slice %arg2[%dma_wait3A_37, %dma_wait3A_38] : memref<10000x8xf32, #tpu.memory_space<hbm>> -> memref<10000x8xf32, #tpu.memory_space<hbm>>
    tpu.wait_indirect_dma semaphore(%arg12 : memref<!tpu.dma_semaphore, #tpu.memory_space<semaphore_mem>>) src(%dma_wait3A_39 : memref<10000x8xf32, #tpu.memory_space<hbm>>) dst(%arg10 : memref<2000x8xf32, #tpu.memory_space<vmem>>)
    %dma_wait3A_40 = arith.constant 0 : i32
    %dma_wait3A_41 = arith.constant 0 : i32
    %dma_wait3A_42 = tpu.memref_slice %arg3[%dma_wait3A_40, %dma_wait3A_41] : memref<10000x8xf32, #tpu.memory_space<hbm>> -> memref<10000x8xf32, #tpu.memory_space<hbm>>
    tpu.wait_indirect_dma semaphore(%arg13 : memref<!tpu.dma_semaphore, #tpu.memory_space<semaphore_mem>>) src(%dma_wait3A_42 : memref<10000x8xf32, #tpu.memory_space<hbm>>) dst(%arg11 : memref<2000x8xf32, #tpu.memory_space<vmem>>)
    "tpu.region"() ({
      %run_scoped3A = tpu.sem_alloc : memref<!tpu.dma_semaphore, #tpu.memory_space<semaphore_mem>>
      %dma_start3A_71 = arith.constant 0 : i32
      %dma_start3A_72 = tpu.memref_slice %arg6[%add3A_30, %dma_start3A_71] : memref<320000x8xf32, #tpu.memory_space<hbm>> -> memref<2000x8xf32, #tpu.memory_space<hbm>>
      %dma_start3A_73 = arith.constant 0 : i32
      %dma_start3A_74 = tpu.memref_slice %arg6[%add3A_30, %dma_start3A_73] : memref<320000x8xf32, #tpu.memory_space<hbm>> -> memref<2000x8xf32, #tpu.memory_space<hbm>>
      tpu.enqueue_dma source(%arg10 : memref<2000x8xf32, #tpu.memory_space<vmem>>) target(%dma_start3A_74 : memref<2000x8xf32, #tpu.memory_space<hbm>>) target_semaphore(%run_scoped3A : memref<!tpu.dma_semaphore, #tpu.memory_space<semaphore_mem>>)
      %dma_wait3A_75 = arith.constant 0 : i32
      %dma_wait3A_76 = tpu.memref_slice %arg6[%add3A_30, %dma_wait3A_75] : memref<320000x8xf32, #tpu.memory_space<hbm>> -> memref<2000x8xf32, #tpu.memory_space<hbm>>
      %dma_wait3A_77 = arith.constant 0 : i32
      %dma_wait3A_78 = tpu.memref_slice %arg6[%add3A_30, %dma_wait3A_77] : memref<320000x8xf32, #tpu.memory_space<hbm>> -> memref<2000x8xf32, #tpu.memory_space<hbm>>
      tpu.wait_dma2 semaphore(%run_scoped3A : memref<!tpu.dma_semaphore, #tpu.memory_space<semaphore_mem>>) src(%arg10 : memref<2000x8xf32, #tpu.memory_space<vmem>>) dst(%dma_wait3A_78 : memref<2000x8xf32, #tpu.memory_space<hbm>>)
      tpu.yield
    }) : () -> ()
    "tpu.region"() ({
      %run_scoped3A = tpu.sem_alloc : memref<!tpu.dma_semaphore, #tpu.memory_space<semaphore_mem>>
      %dma_start3A_71 = arith.constant 0 : i32
      %dma_start3A_72 = tpu.memref_slice %arg7[%add3A_30, %dma_start3A_71] : memref<320000x8xf32, #tpu.memory_space<hbm>> -> memref<2000x8xf32, #tpu.memory_space<hbm>>
      %dma_start3A_73 = arith.constant 0 : i32
      %dma_start3A_74 = tpu.memref_slice %arg7[%add3A_30, %dma_start3A_73] : memref<320000x8xf32, #tpu.memory_space<hbm>> -> memref<2000x8xf32, #tpu.memory_space<hbm>>
      tpu.enqueue_dma source(%arg11 : memref<2000x8xf32, #tpu.memory_space<vmem>>) target(%dma_start3A_74 : memref<2000x8xf32, #tpu.memory_space<hbm>>) target_semaphore(%run_scoped3A : memref<!tpu.dma_semaphore, #tpu.memory_space<semaphore_mem>>)
      %dma_wait3A_75 = arith.constant 0 : i32
      %dma_wait3A_76 = tpu.memref_slice %arg7[%add3A_30, %dma_wait3A_75] : memref<320000x8xf32, #tpu.memory_space<hbm>> -> memref<2000x8xf32, #tpu.memory_space<hbm>>
      %dma_wait3A_77 = arith.constant 0 : i32
      %dma_wait3A_78 = tpu.memref_slice %arg7[%add3A_30, %dma_wait3A_77] : memref<320000x8xf32, #tpu.memory_space<hbm>> -> memref<2000x8xf32, #tpu.memory_space<hbm>>
      tpu.wait_dma2 semaphore(%run_scoped3A : memref<!tpu.dma_semaphore, #tpu.memory_space<semaphore_mem>>) src(%arg11 : memref<2000x8xf32, #tpu.memory_space<vmem>>) dst(%dma_wait3A_78 : memref<2000x8xf32, #tpu.memory_space<hbm>>)
      tpu.yield
    }) : () -> ()
    %add3A_43 = arith.constant 6000 : i32
    %add3A_44 = arith.addi %mul3A_2, %add3A_43 : i32
    "tpu.region"() ({
      %run_scoped3A = tpu.sem_alloc : memref<!tpu.dma_semaphore, #tpu.memory_space<semaphore_mem>>
      %dma_start3A_71 = tpu.memref_slice %arg4[%add3A_44] : memref<320000xi32, #tpu.memory_space<hbm>> -> memref<2000xi32, #tpu.memory_space<hbm>>
      %dma_start3A_72 = tpu.memref_slice %arg4[%add3A_44] : memref<320000xi32, #tpu.memory_space<hbm>> -> memref<2000xi32, #tpu.memory_space<hbm>>
      tpu.enqueue_dma source(%dma_start3A_72 : memref<2000xi32, #tpu.memory_space<hbm>>) target(%arg8 : memref<2000xi32, #tpu.memory_space<vmem>>) target_semaphore(%run_scoped3A : memref<!tpu.dma_semaphore, #tpu.memory_space<semaphore_mem>>)
      %dma_wait3A_73 = tpu.memref_slice %arg4[%add3A_44] : memref<320000xi32, #tpu.memory_space<hbm>> -> memref<2000xi32, #tpu.memory_space<hbm>>
      %dma_wait3A_74 = tpu.memref_slice %arg4[%add3A_44] : memref<320000xi32, #tpu.memory_space<hbm>> -> memref<2000xi32, #tpu.memory_space<hbm>>
      tpu.wait_dma2 semaphore(%run_scoped3A : memref<!tpu.dma_semaphore, #tpu.memory_space<semaphore_mem>>) src(%dma_wait3A_74 : memref<2000xi32, #tpu.memory_space<hbm>>) dst(%arg8 : memref<2000xi32, #tpu.memory_space<vmem>>)
      tpu.yield
    }) : () -> ()
    "tpu.region"() ({
      %run_scoped3A = tpu.sem_alloc : memref<!tpu.dma_semaphore, #tpu.memory_space<semaphore_mem>>
      %dma_start3A_71 = tpu.memref_slice %arg5[%add3A_44] : memref<320000xi32, #tpu.memory_space<hbm>> -> memref<2000xi32, #tpu.memory_space<hbm>>
      %dma_start3A_72 = tpu.memref_slice %arg5[%add3A_44] : memref<320000xi32, #tpu.memory_space<hbm>> -> memref<2000xi32, #tpu.memory_space<hbm>>
      tpu.enqueue_dma source(%dma_start3A_72 : memref<2000xi32, #tpu.memory_space<hbm>>) target(%arg9 : memref<2000xi32, #tpu.memory_space<vmem>>) target_semaphore(%run_scoped3A : memref<!tpu.dma_semaphore, #tpu.memory_space<semaphore_mem>>)
      %dma_wait3A_73 = tpu.memref_slice %arg5[%add3A_44] : memref<320000xi32, #tpu.memory_space<hbm>> -> memref<2000xi32, #tpu.memory_space<hbm>>
      %dma_wait3A_74 = tpu.memref_slice %arg5[%add3A_44] : memref<320000xi32, #tpu.memory_space<hbm>> -> memref<2000xi32, #tpu.memory_space<hbm>>
      tpu.wait_dma2 semaphore(%run_scoped3A : memref<!tpu.dma_semaphore, #tpu.memory_space<semaphore_mem>>) src(%dma_wait3A_74 : memref<2000xi32, #tpu.memory_space<hbm>>) dst(%arg9 : memref<2000xi32, #tpu.memory_space<vmem>>)
      tpu.yield
    }) : () -> ()
    %dma_start3A_45 = arith.constant 0 : i32
    %dma_start3A_46 = arith.constant 0 : i32
    %dma_start3A_47 = tpu.memref_slice %arg2[%dma_start3A_45, %dma_start3A_46] : memref<10000x8xf32, #tpu.memory_space<hbm>> -> memref<10000x8xf32, #tpu.memory_space<hbm>>
    tpu.enqueue_indirect_dma source(%dma_start3A_47 : memref<10000x8xf32, #tpu.memory_space<hbm>>) target(%arg10 : memref<2000x8xf32, #tpu.memory_space<vmem>>) offsets(%arg8 : memref<2000xi32, #tpu.memory_space<vmem>>) semaphore(%arg12 : memref<!tpu.dma_semaphore, #tpu.memory_space<semaphore_mem>>)
    %dma_start3A_48 = arith.constant 0 : i32
    %dma_start3A_49 = arith.constant 0 : i32
    %dma_start3A_50 = tpu.memref_slice %arg3[%dma_start3A_48, %dma_start3A_49] : memref<10000x8xf32, #tpu.memory_space<hbm>> -> memref<10000x8xf32, #tpu.memory_space<hbm>>
    tpu.enqueue_indirect_dma source(%dma_start3A_50 : memref<10000x8xf32, #tpu.memory_space<hbm>>) target(%arg11 : memref<2000x8xf32, #tpu.memory_space<vmem>>) offsets(%arg9 : memref<2000xi32, #tpu.memory_space<vmem>>) semaphore(%arg13 : memref<!tpu.dma_semaphore, #tpu.memory_space<semaphore_mem>>)
    %dma_wait3A_51 = arith.constant 0 : i32
    %dma_wait3A_52 = arith.constant 0 : i32
    %dma_wait3A_53 = tpu.memref_slice %arg2[%dma_wait3A_51, %dma_wait3A_52] : memref<10000x8xf32, #tpu.memory_space<hbm>> -> memref<10000x8xf32, #tpu.memory_space<hbm>>
    tpu.wait_indirect_dma semaphore(%arg12 : memref<!tpu.dma_semaphore, #tpu.memory_space<semaphore_mem>>) src(%dma_wait3A_53 : memref<10000x8xf32, #tpu.memory_space<hbm>>) dst(%arg10 : memref<2000x8xf32, #tpu.memory_space<vmem>>)
    %dma_wait3A_54 = arith.constant 0 : i32
    %dma_wait3A_55 = arith.constant 0 : i32
    %dma_wait3A_56 = tpu.memref_slice %arg3[%dma_wait3A_54, %dma_wait3A_55] : memref<10000x8xf32, #tpu.memory_space<hbm>> -> memref<10000x8xf32, #tpu.memory_space<hbm>>
    tpu.wait_indirect_dma semaphore(%arg13 : memref<!tpu.dma_semaphore, #tpu.memory_space<semaphore_mem>>) src(%dma_wait3A_56 : memref<10000x8xf32, #tpu.memory_space<hbm>>) dst(%arg11 : memref<2000x8xf32, #tpu.memory_space<vmem>>)
    "tpu.region"() ({
      %run_scoped3A = tpu.sem_alloc : memref<!tpu.dma_semaphore, #tpu.memory_space<semaphore_mem>>
      %dma_start3A_71 = arith.constant 0 : i32
      %dma_start3A_72 = tpu.memref_slice %arg6[%add3A_44, %dma_start3A_71] : memref<320000x8xf32, #tpu.memory_space<hbm>> -> memref<2000x8xf32, #tpu.memory_space<hbm>>
      %dma_start3A_73 = arith.constant 0 : i32
      %dma_start3A_74 = tpu.memref_slice %arg6[%add3A_44, %dma_start3A_73] : memref<320000x8xf32, #tpu.memory_space<hbm>> -> memref<2000x8xf32, #tpu.memory_space<hbm>>
      tpu.enqueue_dma source(%arg10 : memref<2000x8xf32, #tpu.memory_space<vmem>>) target(%dma_start3A_74 : memref<2000x8xf32, #tpu.memory_space<hbm>>) target_semaphore(%run_scoped3A : memref<!tpu.dma_semaphore, #tpu.memory_space<semaphore_mem>>)
      %dma_wait3A_75 = arith.constant 0 : i32
      %dma_wait3A_76 = tpu.memref_slice %arg6[%add3A_44, %dma_wait3A_75] : memref<320000x8xf32, #tpu.memory_space<hbm>> -> memref<2000x8xf32, #tpu.memory_space<hbm>>
      %dma_wait3A_77 = arith.constant 0 : i32
      %dma_wait3A_78 = tpu.memref_slice %arg6[%add3A_44, %dma_wait3A_77] : memref<320000x8xf32, #tpu.memory_space<hbm>> -> memref<2000x8xf32, #tpu.memory_space<hbm>>
      tpu.wait_dma2 semaphore(%run_scoped3A : memref<!tpu.dma_semaphore, #tpu.memory_space<semaphore_mem>>) src(%arg10 : memref<2000x8xf32, #tpu.memory_space<vmem>>) dst(%dma_wait3A_78 : memref<2000x8xf32, #tpu.memory_space<hbm>>)
      tpu.yield
    }) : () -> ()
    "tpu.region"() ({
      %run_scoped3A = tpu.sem_alloc : memref<!tpu.dma_semaphore, #tpu.memory_space<semaphore_mem>>
      %dma_start3A_71 = arith.constant 0 : i32
      %dma_start3A_72 = tpu.memref_slice %arg7[%add3A_44, %dma_start3A_71] : memref<320000x8xf32, #tpu.memory_space<hbm>> -> memref<2000x8xf32, #tpu.memory_space<hbm>>
      %dma_start3A_73 = arith.constant 0 : i32
      %dma_start3A_74 = tpu.memref_slice %arg7[%add3A_44, %dma_start3A_73] : memref<320000x8xf32, #tpu.memory_space<hbm>> -> memref<2000x8xf32, #tpu.memory_space<hbm>>
      tpu.enqueue_dma source(%arg11 : memref<2000x8xf32, #tpu.memory_space<vmem>>) target(%dma_start3A_74 : memref<2000x8xf32, #tpu.memory_space<hbm>>) target_semaphore(%run_scoped3A : memref<!tpu.dma_semaphore, #tpu.memory_space<semaphore_mem>>)
      %dma_wait3A_75 = arith.constant 0 : i32
      %dma_wait3A_76 = tpu.memref_slice %arg7[%add3A_44, %dma_wait3A_75] : memref<320000x8xf32, #tpu.memory_space<hbm>> -> memref<2000x8xf32, #tpu.memory_space<hbm>>
      %dma_wait3A_77 = arith.constant 0 : i32
      %dma_wait3A_78 = tpu.memref_slice %arg7[%add3A_44, %dma_wait3A_77] : memref<320000x8xf32, #tpu.memory_space<hbm>> -> memref<2000x8xf32, #tpu.memory_space<hbm>>
      tpu.wait_dma2 semaphore(%run_scoped3A : memref<!tpu.dma_semaphore, #tpu.memory_space<semaphore_mem>>) src(%arg11 : memref<2000x8xf32, #tpu.memory_space<vmem>>) dst(%dma_wait3A_78 : memref<2000x8xf32, #tpu.memory_space<hbm>>)
      tpu.yield
    }) : () -> ()
    %add3A_57 = arith.constant 8000 : i32
    %add3A_58 = arith.addi %mul3A_2, %add3A_57 : i32
    "tpu.region"() ({
      %run_scoped3A = tpu.sem_alloc : memref<!tpu.dma_semaphore, #tpu.memory_space<semaphore_mem>>
      %dma_start3A_71 = tpu.memref_slice %arg4[%add3A_58] : memref<320000xi32, #tpu.memory_space<hbm>> -> memref<2000xi32, #tpu.memory_space<hbm>>
      %dma_start3A_72 = tpu.memref_slice %arg4[%add3A_58] : memref<320000xi32, #tpu.memory_space<hbm>> -> memref<2000xi32, #tpu.memory_space<hbm>>
      tpu.enqueue_dma source(%dma_start3A_72 : memref<2000xi32, #tpu.memory_space<hbm>>) target(%arg8 : memref<2000xi32, #tpu.memory_space<vmem>>) target_semaphore(%run_scoped3A : memref<!tpu.dma_semaphore, #tpu.memory_space<semaphore_mem>>)
      %dma_wait3A_73 = tpu.memref_slice %arg4[%add3A_58] : memref<320000xi32, #tpu.memory_space<hbm>> -> memref<2000xi32, #tpu.memory_space<hbm>>
      %dma_wait3A_74 = tpu.memref_slice %arg4[%add3A_58] : memref<320000xi32, #tpu.memory_space<hbm>> -> memref<2000xi32, #tpu.memory_space<hbm>>
      tpu.wait_dma2 semaphore(%run_scoped3A : memref<!tpu.dma_semaphore, #tpu.memory_space<semaphore_mem>>) src(%dma_wait3A_74 : memref<2000xi32, #tpu.memory_space<hbm>>) dst(%arg8 : memref<2000xi32, #tpu.memory_space<vmem>>)
      tpu.yield
    }) : () -> ()
    "tpu.region"() ({
      %run_scoped3A = tpu.sem_alloc : memref<!tpu.dma_semaphore, #tpu.memory_space<semaphore_mem>>
      %dma_start3A_71 = tpu.memref_slice %arg5[%add3A_58] : memref<320000xi32, #tpu.memory_space<hbm>> -> memref<2000xi32, #tpu.memory_space<hbm>>
      %dma_start3A_72 = tpu.memref_slice %arg5[%add3A_58] : memref<320000xi32, #tpu.memory_space<hbm>> -> memref<2000xi32, #tpu.memory_space<hbm>>
      tpu.enqueue_dma source(%dma_start3A_72 : memref<2000xi32, #tpu.memory_space<hbm>>) target(%arg9 : memref<2000xi32, #tpu.memory_space<vmem>>) target_semaphore(%run_scoped3A : memref<!tpu.dma_semaphore, #tpu.memory_space<semaphore_mem>>)
      %dma_wait3A_73 = tpu.memref_slice %arg5[%add3A_58] : memref<320000xi32, #tpu.memory_space<hbm>> -> memref<2000xi32, #tpu.memory_space<hbm>>
      %dma_wait3A_74 = tpu.memref_slice %arg5[%add3A_58] : memref<320000xi32, #tpu.memory_space<hbm>> -> memref<2000xi32, #tpu.memory_space<hbm>>
      tpu.wait_dma2 semaphore(%run_scoped3A : memref<!tpu.dma_semaphore, #tpu.memory_space<semaphore_mem>>) src(%dma_wait3A_74 : memref<2000xi32, #tpu.memory_space<hbm>>) dst(%arg9 : memref<2000xi32, #tpu.memory_space<vmem>>)
      tpu.yield
    }) : () -> ()
    %dma_start3A_59 = arith.constant 0 : i32
    %dma_start3A_60 = arith.constant 0 : i32
    %dma_start3A_61 = tpu.memref_slice %arg2[%dma_start3A_59, %dma_start3A_60] : memref<10000x8xf32, #tpu.memory_space<hbm>> -> memref<10000x8xf32, #tpu.memory_space<hbm>>
    tpu.enqueue_indirect_dma source(%dma_start3A_61 : memref<10000x8xf32, #tpu.memory_space<hbm>>) target(%arg10 : memref<2000x8xf32, #tpu.memory_space<vmem>>) offsets(%arg8 : memref<2000xi32, #tpu.memory_space<vmem>>) semaphore(%arg12 : memref<!tpu.dma_semaphore, #tpu.memory_space<semaphore_mem>>)
    %dma_start3A_62 = arith.constant 0 : i32
    %dma_start3A_63 = arith.constant 0 : i32
    %dma_start3A_64 = tpu.memref_slice %arg3[%dma_start3A_62, %dma_start3A_63] : memref<10000x8xf32, #tpu.memory_space<hbm>> -> memref<10000x8xf32, #tpu.memory_space<hbm>>
    tpu.enqueue_indirect_dma source(%dma_start3A_64 : memref<10000x8xf32, #tpu.memory_space<hbm>>) target(%arg11 : memref<2000x8xf32, #tpu.memory_space<vmem>>) offsets(%arg9 : memref<2000xi32, #tpu.memory_space<vmem>>) semaphore(%arg13 : memref<!tpu.dma_semaphore, #tpu.memory_space<semaphore_mem>>)
    %dma_wait3A_65 = arith.constant 0 : i32
    %dma_wait3A_66 = arith.constant 0 : i32
    %dma_wait3A_67 = tpu.memref_slice %arg2[%dma_wait3A_65, %dma_wait3A_66] : memref<10000x8xf32, #tpu.memory_space<hbm>> -> memref<10000x8xf32, #tpu.memory_space<hbm>>
    tpu.wait_indirect_dma semaphore(%arg12 : memref<!tpu.dma_semaphore, #tpu.memory_space<semaphore_mem>>) src(%dma_wait3A_67 : memref<10000x8xf32, #tpu.memory_space<hbm>>) dst(%arg10 : memref<2000x8xf32, #tpu.memory_space<vmem>>)
    %dma_wait3A_68 = arith.constant 0 : i32
    %dma_wait3A_69 = arith.constant 0 : i32
    %dma_wait3A_70 = tpu.memref_slice %arg3[%dma_wait3A_68, %dma_wait3A_69] : memref<10000x8xf32, #tpu.memory_space<hbm>> -> memref<10000x8xf32, #tpu.memory_space<hbm>>
    tpu.wait_indirect_dma semaphore(%arg13 : memref<!tpu.dma_semaphore, #tpu.memory_space<semaphore_mem>>) src(%dma_wait3A_70 : memref<10000x8xf32, #tpu.memory_space<hbm>>) dst(%arg11 : memref<2000x8xf32, #tpu.memory_space<vmem>>)
    "tpu.region"() ({
      %run_scoped3A = tpu.sem_alloc : memref<!tpu.dma_semaphore, #tpu.memory_space<semaphore_mem>>
      %dma_start3A_71 = arith.constant 0 : i32
      %dma_start3A_72 = tpu.memref_slice %arg6[%add3A_58, %dma_start3A_71] : memref<320000x8xf32, #tpu.memory_space<hbm>> -> memref<2000x8xf32, #tpu.memory_space<hbm>>
      %dma_start3A_73 = arith.constant 0 : i32
      %dma_start3A_74 = tpu.memref_slice %arg6[%add3A_58, %dma_start3A_73] : memref<320000x8xf32, #tpu.memory_space<hbm>> -> memref<2000x8xf32, #tpu.memory_space<hbm>>
      tpu.enqueue_dma source(%arg10 : memref<2000x8xf32, #tpu.memory_space<vmem>>) target(%dma_start3A_74 : memref<2000x8xf32, #tpu.memory_space<hbm>>) target_semaphore(%run_scoped3A : memref<!tpu.dma_semaphore, #tpu.memory_space<semaphore_mem>>)
      %dma_wait3A_75 = arith.constant 0 : i32
      %dma_wait3A_76 = tpu.memref_slice %arg6[%add3A_58, %dma_wait3A_75] : memref<320000x8xf32, #tpu.memory_space<hbm>> -> memref<2000x8xf32, #tpu.memory_space<hbm>>
      %dma_wait3A_77 = arith.constant 0 : i32
      %dma_wait3A_78 = tpu.memref_slice %arg6[%add3A_58, %dma_wait3A_77] : memref<320000x8xf32, #tpu.memory_space<hbm>> -> memref<2000x8xf32, #tpu.memory_space<hbm>>
      tpu.wait_dma2 semaphore(%run_scoped3A : memref<!tpu.dma_semaphore, #tpu.memory_space<semaphore_mem>>) src(%arg10 : memref<2000x8xf32, #tpu.memory_space<vmem>>) dst(%dma_wait3A_78 : memref<2000x8xf32, #tpu.memory_space<hbm>>)
      tpu.yield
    }) : () -> ()
    "tpu.region"() ({
      %run_scoped3A = tpu.sem_alloc : memref<!tpu.dma_semaphore, #tpu.memory_space<semaphore_mem>>
      %dma_start3A_71 = arith.constant 0 : i32
      %dma_start3A_72 = tpu.memref_slice %arg7[%add3A_58, %dma_start3A_71] : memref<320000x8xf32, #tpu.memory_space<hbm>> -> memref<2000x8xf32, #tpu.memory_space<hbm>>
      %dma_start3A_73 = arith.constant 0 : i32
      %dma_start3A_74 = tpu.memref_slice %arg7[%add3A_58, %dma_start3A_73] : memref<320000x8xf32, #tpu.memory_space<hbm>> -> memref<2000x8xf32, #tpu.memory_space<hbm>>
      tpu.enqueue_dma source(%arg11 : memref<2000x8xf32, #tpu.memory_space<vmem>>) target(%dma_start3A_74 : memref<2000x8xf32, #tpu.memory_space<hbm>>) target_semaphore(%run_scoped3A : memref<!tpu.dma_semaphore, #tpu.memory_space<semaphore_mem>>)
      %dma_wait3A_75 = arith.constant 0 : i32
      %dma_wait3A_76 = tpu.memref_slice %arg7[%add3A_58, %dma_wait3A_75] : memref<320000x8xf32, #tpu.memory_space<hbm>> -> memref<2000x8xf32, #tpu.memory_space<hbm>>
      %dma_wait3A_77 = arith.constant 0 : i32
      %dma_wait3A_78 = tpu.memref_slice %arg7[%add3A_58, %dma_wait3A_77] : memref<320000x8xf32, #tpu.memory_space<hbm>> -> memref<2000x8xf32, #tpu.memory_space<hbm>>
      tpu.wait_dma2 semaphore(%run_scoped3A : memref<!tpu.dma_semaphore, #tpu.memory_space<semaphore_mem>>) src(%arg11 : memref<2000x8xf32, #tpu.memory_space<vmem>>) dst(%dma_wait3A_78 : memref<2000x8xf32, #tpu.memory_space<hbm>>)
      tpu.yield
    }) : () -> ()
    return
  }
}

module attributes {stable_mosaic.version = 14 : i64} {
  func.func @_tables_body(%arg0: memref<10000x128xf32, #tpu.memory_space<vmem>>, %arg1: memref<128x8xf32, #tpu.memory_space<vmem>>, %arg2: memref<128x8xf32, #tpu.memory_space<vmem>>, %arg3: memref<10000x8xf32, #tpu.memory_space<vmem>>, %arg4: memref<10000x8xf32, #tpu.memory_space<vmem>>) attributes {dimension_semantics = [], scalar_prefetch = 0 : i64, scratch_operands = 0 : i64, tpu.core_type = #tpu.core_type<tc>} {
    %get3A = arith.constant 0 : index
    %get3A_0 = arith.constant 0 : index
    %get3A_1 = vector.load %arg0[%get3A, %get3A_0] : memref<10000x128xf32, #tpu.memory_space<vmem>>, vector<10000x128xf32>
    %get3A_2 = arith.constant 0 : index
    %get3A_3 = arith.constant 0 : index
    %get3A_4 = vector.load %arg1[%get3A_2, %get3A_3] : memref<128x8xf32, #tpu.memory_space<vmem>>, vector<128x8xf32>
    %dot_general3A = arith.constant dense<0.000000e+00> : vector<10000x8xf32>
    %dot_general3A_5 = tpu.matmul %get3A_1, %get3A_4, %dot_general3A {dimension_numbers = #tpu.dot_dimension_numbers<[1], [0], [0], [1], [0, 0, 1, 1], [], []>, precision = #tpu.contract_precision<fp32>, transpose_lhs_hint = false} : vector<10000x128xf32>, vector<128x8xf32>, vector<10000x8xf32> -> vector<10000x8xf32>
    %swap3A = arith.constant 0 : index
    %swap3A_6 = arith.constant 0 : index
    %swap3A_7 = vector.load %arg3[%swap3A, %swap3A_6] : memref<10000x8xf32, #tpu.memory_space<vmem>>, vector<10000x8xf32>
    tpu.vector_store %arg3[%swap3A, %swap3A_6], %dot_general3A_5 {strides = array<i32>} : memref<10000x8xf32, #tpu.memory_space<vmem>>, vector<10000x8xf32>,
    %get3A_8 = arith.constant 0 : index
    %get3A_9 = arith.constant 0 : index
    %get3A_10 = vector.load %arg2[%get3A_8, %get3A_9] : memref<128x8xf32, #tpu.memory_space<vmem>>, vector<128x8xf32>
    %dot_general3A_11 = arith.constant dense<0.000000e+00> : vector<10000x8xf32>
    %dot_general3A_12 = tpu.matmul %get3A_1, %get3A_10, %dot_general3A_11 {dimension_numbers = #tpu.dot_dimension_numbers<[1], [0], [0], [1], [0, 0, 1, 1], [], []>, precision = #tpu.contract_precision<fp32>, transpose_lhs_hint = false} : vector<10000x128xf32>, vector<128x8xf32>, vector<10000x8xf32> -> vector<10000x8xf32>
    %swap3A_13 = arith.constant 0 : index
    %swap3A_14 = arith.constant 0 : index
    %swap3A_15 = vector.load %arg4[%swap3A_13, %swap3A_14] : memref<10000x8xf32, #tpu.memory_space<vmem>>, vector<10000x8xf32>
    tpu.vector_store %arg4[%swap3A_13, %swap3A_14], %dot_general3A_12 {strides = array<i32>} : memref<10000x8xf32, #tpu.memory_space<vmem>>, vector<10000x8xf32>,
    return
  }
}

module attributes {stable_mosaic.version = 14 : i64} {
  func.func @_mlp_body(%arg0: i32, %arg1: memref<1000x128xf32, #tpu.memory_space<vmem>>, %arg2: memref<1000x128xf32, #tpu.memory_space<vmem>>, %arg3: memref<128x128xf32, #tpu.memory_space<vmem>>, %arg4: memref<128x128xf32, #tpu.memory_space<vmem>>, %arg5: memref<128x128xf32, #tpu.memory_space<vmem>>, %arg6: memref<128x16xf32, #tpu.memory_space<vmem>>, %arg7: memref<16x128xf32, #tpu.memory_space<vmem>>, %arg8: memref<1xf32, #tpu.memory_space<smem>>, %arg9: memref<1000x16xf32, #tpu.memory_space<vmem>>) attributes {dimension_semantics = [#tpu.dimension_semantics<arbitrary>], iteration_bounds = array<i64: 20>, scalar_prefetch = 0 : i64, scratch_operands = 0 : i64, tpu.core_type = #tpu.core_type<tc>, window_params = [{transform_indices = @transform_0, window_bounds = array<i64: 1000, 128>}, {transform_indices = @transform_1, window_bounds = array<i64: 1000, 128>}, {pipeline_mode = #tpu.pipeline_mode<synchronous>, transform_indices = @transform_2, window_bounds = array<i64: 128, 128>}, {pipeline_mode = #tpu.pipeline_mode<synchronous>, transform_indices = @transform_3, window_bounds = array<i64: 128, 128>}, {pipeline_mode = #tpu.pipeline_mode<synchronous>, transform_indices = @transform_4, window_bounds = array<i64: 128, 128>}, {pipeline_mode = #tpu.pipeline_mode<synchronous>, transform_indices = @transform_5, window_bounds = array<i64: 128, 16>}, {pipeline_mode = #tpu.pipeline_mode<synchronous>, transform_indices = @transform_6, window_bounds = array<i64: 16, 128>}, {transform_indices = @transform_7, window_bounds = array<i64: 1>}, {transform_indices = @transform_8, window_bounds = array<i64: 1000, 16>}]} {
    %get3A = arith.constant 0 : index
    %get3A_0 = arith.constant 0 : index
    %get3A_1 = vector.load %arg3[%get3A, %get3A_0] : memref<128x128xf32, #tpu.memory_space<vmem>>, vector<128x128xf32>
    %get3A_2 = arith.constant 0 : index
    %get3A_3 = arith.constant 0 : index
    %get3A_4 = vector.load %arg1[%get3A_2, %get3A_3] : memref<1000x128xf32, #tpu.memory_space<vmem>>, vector<1000x128xf32>
    %get3A_5 = arith.constant 0 : index
    %get3A_6 = arith.constant 0 : index
    %get3A_7 = vector.load %arg2[%get3A_5, %get3A_6] : memref<1000x128xf32, #tpu.memory_space<vmem>>, vector<1000x128xf32>
    %add3A = arith.addf %get3A_4, %get3A_7 : vector<1000x128xf32>
    %get3A_8 = arith.constant 0 : index
    %get3A_9 = arith.constant 0 : index
    %get3A_10 = vector.load %arg7[%get3A_8, %get3A_9] : memref<16x128xf32, #tpu.memory_space<vmem>>, vector<1x128xf32>
    %add3A_11 = vector.broadcast %get3A_10 : vector<1x128xf32> to vector<1000x128xf32>
    %add3A_12 = arith.addf %add3A, %add3A_11 : vector<1000x128xf32>
    %dot_general3A = arith.constant dense<0.000000e+00> : vector<1000x128xf32>
    %dot_general3A_13 = tpu.matmul %add3A_12, %get3A_1, %dot_general3A {dimension_numbers = #tpu.dot_dimension_numbers<[1], [0], [0], [1], [0, 0, 1, 1], [], []>, precision = #tpu.contract_precision<fp32>, transpose_lhs_hint = false} : vector<1000x128xf32>, vector<128x128xf32>, vector<1000x128xf32> -> vector<1000x128xf32>
    %sub3A = arith.subf %add3A_12, %dot_general3A_13 : vector<1000x128xf32>
    %mul3A = arith.mulf %sub3A, %sub3A : vector<1000x128xf32>
    %dot_general3A_14 = arith.constant dense<0.000000e+00> : vector<1000x128xf32>
    %dot_general3A_15 = tpu.matmul %mul3A, %get3A_1, %dot_general3A_14 {dimension_numbers = #tpu.dot_dimension_numbers<[1], [0], [0], [1], [0, 0, 1, 1], [], []>, precision = #tpu.contract_precision<fp32>, transpose_lhs_hint = false} : vector<1000x128xf32>, vector<128x128xf32>, vector<1000x128xf32> -> vector<1000x128xf32>
    %add3A_16 = arith.constant 9.99999974E-6 : f32
    %add3A_17 = vector.broadcast %add3A_16 : f32 to vector<1000x128xf32>
    %add3A_18 = arith.addf %dot_general3A_15, %add3A_17 : vector<1000x128xf32>
    %rsqrt3A = math.rsqrt %add3A_18 : vector<1000x128xf32>
    %mul3A_19 = arith.mulf %sub3A, %rsqrt3A : vector<1000x128xf32>
    %get3A_20 = arith.constant 1 : index
    %get3A_21 = arith.constant 0 : index
    %get3A_22 = vector.load %arg7[%get3A_20, %get3A_21] : memref<16x128xf32, #tpu.memory_space<vmem>>, vector<1x128xf32>
    %mul3A_23 = vector.broadcast %get3A_22 : vector<1x128xf32> to vector<1000x128xf32>
    %mul3A_24 = arith.mulf %mul3A_19, %mul3A_23 : vector<1000x128xf32>
    %get3A_25 = arith.constant 2 : index
    %get3A_26 = arith.constant 0 : index
    %get3A_27 = vector.load %arg7[%get3A_25, %get3A_26] : memref<16x128xf32, #tpu.memory_space<vmem>>, vector<1x128xf32>
    %add3A_28 = vector.broadcast %get3A_27 : vector<1x128xf32> to vector<1000x128xf32>
    %add3A_29 = arith.addf %mul3A_24, %add3A_28 : vector<1000x128xf32>
    %tanh3A = math.tanh %add3A_29 : vector<1000x128xf32>
    %get3A_30 = arith.constant 0 : index
    %get3A_31 = arith.constant 0 : index
    %get3A_32 = vector.load %arg4[%get3A_30, %get3A_31] : memref<128x128xf32, #tpu.memory_space<vmem>>, vector<128x128xf32>
    %dot_general3A_33 = arith.constant dense<0.000000e+00> : vector<1000x128xf32>
    %dot_general3A_34 = tpu.matmul %tanh3A, %get3A_32, %dot_general3A_33 {dimension_numbers = #tpu.dot_dimension_numbers<[1], [0], [0], [1], [0, 0, 1, 1], [], []>, precision = #tpu.contract_precision<fp32>, transpose_lhs_hint = false} : vector<1000x128xf32>, vector<128x128xf32>, vector<1000x128xf32> -> vector<1000x128xf32>
    %get3A_35 = arith.constant 3 : index
    %get3A_36 = arith.constant 0 : index
    %get3A_37 = vector.load %arg7[%get3A_35, %get3A_36] : memref<16x128xf32, #tpu.memory_space<vmem>>, vector<1x128xf32>
    %add3A_38 = vector.broadcast %get3A_37 : vector<1x128xf32> to vector<1000x128xf32>
    %add3A_39 = arith.addf %dot_general3A_34, %add3A_38 : vector<1000x128xf32>
    %dot_general3A_40 = arith.constant dense<0.000000e+00> : vector<1000x128xf32>
    %dot_general3A_41 = tpu.matmul %add3A_39, %get3A_1, %dot_general3A_40 {dimension_numbers = #tpu.dot_dimension_numbers<[1], [0], [0], [1], [0, 0, 1, 1], [], []>, precision = #tpu.contract_precision<fp32>, transpose_lhs_hint = false} : vector<1000x128xf32>, vector<128x128xf32>, vector<1000x128xf32> -> vector<1000x128xf32>
    %sub3A_42 = arith.subf %add3A_39, %dot_general3A_41 : vector<1000x128xf32>
    %mul3A_43 = arith.mulf %sub3A_42, %sub3A_42 : vector<1000x128xf32>
    %dot_general3A_44 = arith.constant dense<0.000000e+00> : vector<1000x128xf32>
    %dot_general3A_45 = tpu.matmul %mul3A_43, %get3A_1, %dot_general3A_44 {dimension_numbers = #tpu.dot_dimension_numbers<[1], [0], [0], [1], [0, 0, 1, 1], [], []>, precision = #tpu.contract_precision<fp32>, transpose_lhs_hint = false} : vector<1000x128xf32>, vector<128x128xf32>, vector<1000x128xf32> -> vector<1000x128xf32>
    %add3A_46 = arith.constant 9.99999974E-6 : f32
    %add3A_47 = vector.broadcast %add3A_46 : f32 to vector<1000x128xf32>
    %add3A_48 = arith.addf %dot_general3A_45, %add3A_47 : vector<1000x128xf32>
    %rsqrt3A_49 = math.rsqrt %add3A_48 : vector<1000x128xf32>
    %mul3A_50 = arith.mulf %sub3A_42, %rsqrt3A_49 : vector<1000x128xf32>
    %get3A_51 = arith.constant 4 : index
    %get3A_52 = arith.constant 0 : index
    %get3A_53 = vector.load %arg7[%get3A_51, %get3A_52] : memref<16x128xf32, #tpu.memory_space<vmem>>, vector<1x128xf32>
    %mul3A_54 = vector.broadcast %get3A_53 : vector<1x128xf32> to vector<1000x128xf32>
    %mul3A_55 = arith.mulf %mul3A_50, %mul3A_54 : vector<1000x128xf32>
    %get3A_56 = arith.constant 5 : index
    %get3A_57 = arith.constant 0 : index
    %get3A_58 = vector.load %arg7[%get3A_56, %get3A_57] : memref<16x128xf32, #tpu.memory_space<vmem>>, vector<1x128xf32>
    %add3A_59 = vector.broadcast %get3A_58 : vector<1x128xf32> to vector<1000x128xf32>
    %add3A_60 = arith.addf %mul3A_55, %add3A_59 : vector<1000x128xf32>
    %tanh3A_61 = math.tanh %add3A_60 : vector<1000x128xf32>
    %get3A_62 = arith.constant 0 : index
    %get3A_63 = arith.constant 0 : index
    %get3A_64 = vector.load %arg5[%get3A_62, %get3A_63] : memref<128x128xf32, #tpu.memory_space<vmem>>, vector<128x128xf32>
    %dot_general3A_65 = arith.constant dense<0.000000e+00> : vector<1000x128xf32>
    %dot_general3A_66 = tpu.matmul %tanh3A_61, %get3A_64, %dot_general3A_65 {dimension_numbers = #tpu.dot_dimension_numbers<[1], [0], [0], [1], [0, 0, 1, 1], [], []>, precision = #tpu.contract_precision<fp32>, transpose_lhs_hint = false} : vector<1000x128xf32>, vector<128x128xf32>, vector<1000x128xf32> -> vector<1000x128xf32>
    %get3A_67 = arith.constant 6 : index
    %get3A_68 = arith.constant 0 : index
    %get3A_69 = vector.load %arg7[%get3A_67, %get3A_68] : memref<16x128xf32, #tpu.memory_space<vmem>>, vector<1x128xf32>
    %add3A_70 = vector.broadcast %get3A_69 : vector<1x128xf32> to vector<1000x128xf32>
    %add3A_71 = arith.addf %dot_general3A_66, %add3A_70 : vector<1000x128xf32>
    %dot_general3A_72 = arith.constant dense<0.000000e+00> : vector<1000x128xf32>
    %dot_general3A_73 = tpu.matmul %add3A_71, %get3A_1, %dot_general3A_72 {dimension_numbers = #tpu.dot_dimension_numbers<[1], [0], [0], [1], [0, 0, 1, 1], [], []>, precision = #tpu.contract_precision<fp32>, transpose_lhs_hint = false} : vector<1000x128xf32>, vector<128x128xf32>, vector<1000x128xf32> -> vector<1000x128xf32>
    %sub3A_74 = arith.subf %add3A_71, %dot_general3A_73 : vector<1000x128xf32>
    %mul3A_75 = arith.mulf %sub3A_74, %sub3A_74 : vector<1000x128xf32>
    %dot_general3A_76 = arith.constant dense<0.000000e+00> : vector<1000x128xf32>
    %dot_general3A_77 = tpu.matmul %mul3A_75, %get3A_1, %dot_general3A_76 {dimension_numbers = #tpu.dot_dimension_numbers<[1], [0], [0], [1], [0, 0, 1, 1], [], []>, precision = #tpu.contract_precision<fp32>, transpose_lhs_hint = false} : vector<1000x128xf32>, vector<128x128xf32>, vector<1000x128xf32> -> vector<1000x128xf32>
    %add3A_78 = arith.constant 9.99999974E-6 : f32
    %add3A_79 = vector.broadcast %add3A_78 : f32 to vector<1000x128xf32>
    %add3A_80 = arith.addf %dot_general3A_77, %add3A_79 : vector<1000x128xf32>
    %rsqrt3A_81 = math.rsqrt %add3A_80 : vector<1000x128xf32>
    %mul3A_82 = arith.mulf %sub3A_74, %rsqrt3A_81 : vector<1000x128xf32>
    %get3A_83 = arith.constant 7 : index
    %get3A_84 = arith.constant 0 : index
    %get3A_85 = vector.load %arg7[%get3A_83, %get3A_84] : memref<16x128xf32, #tpu.memory_space<vmem>>, vector<1x128xf32>
    %mul3A_86 = vector.broadcast %get3A_85 : vector<1x128xf32> to vector<1000x128xf32>
    %mul3A_87 = arith.mulf %mul3A_82, %mul3A_86 : vector<1000x128xf32>
    %get3A_88 = arith.constant 8 : index
    %get3A_89 = arith.constant 0 : index
    %get3A_90 = vector.load %arg7[%get3A_88, %get3A_89] : memref<16x128xf32, #tpu.memory_space<vmem>>, vector<1x128xf32>
    %add3A_91 = vector.broadcast %get3A_90 : vector<1x128xf32> to vector<1000x128xf32>
    %add3A_92 = arith.addf %mul3A_87, %add3A_91 : vector<1000x128xf32>
    %tanh3A_93 = math.tanh %add3A_92 : vector<1000x128xf32>
    %get3A_94 = arith.constant 0 : index
    %get3A_95 = arith.constant 0 : index
    %get3A_96 = vector.load %arg6[%get3A_94, %get3A_95] : memref<128x16xf32, #tpu.memory_space<vmem>>, vector<128x16xf32>
    %dot_general3A_97 = arith.constant dense<0.000000e+00> : vector<1000x16xf32>
    %dot_general3A_98 = tpu.matmul %tanh3A_93, %get3A_96, %dot_general3A_97 {dimension_numbers = #tpu.dot_dimension_numbers<[1], [0], [0], [1], [0, 0, 1, 1], [], []>, precision = #tpu.contract_precision<fp32>, transpose_lhs_hint = false} : vector<1000x128xf32>, vector<128x16xf32>, vector<1000x16xf32> -> vector<1000x16xf32>
    %get3A_99 = arith.constant 0 : index
    %get3A_100 = memref.load %arg8[%get3A_99] : memref<1xf32, #tpu.memory_space<smem>>
    %add3A_101 = vector.broadcast %get3A_100 : f32 to vector<1000x16xf32>
    %add3A_102 = arith.addf %dot_general3A_98, %add3A_101 : vector<1000x16xf32>
    %swap3A = arith.constant 0 : index
    %swap3A_103 = arith.constant 0 : index
    %swap3A_104 = vector.load %arg9[%swap3A, %swap3A_103] : memref<1000x16xf32, #tpu.memory_space<vmem>>, vector<1000x16xf32>
    tpu.vector_store %arg9[%swap3A, %swap3A_103], %add3A_102 {strides = array<i32>} : memref<1000x16xf32, #tpu.memory_space<vmem>>, vector<1000x16xf32>,
    return
  }
  func.func @transform_0(%arg0: i32) -> (i32, i32) {
    %c0_i32 = arith.constant 0 : i32
    %c0_i32_0 = arith.constant 0 : i32
    return %arg0, %c0_i32 : i32, i32
  }
  func.func @transform_1(%arg0: i32) -> (i32, i32) {
    %c0_i32 = arith.constant 0 : i32
    %c0_i32_0 = arith.constant 0 : i32
    return %arg0, %c0_i32 : i32, i32
  }
  func.func @transform_2(%arg0: i32) -> (i32, i32) {
    %c0_i32 = arith.constant 0 : i32
    %c0_i32_0 = arith.constant 0 : i32
    %c0_i32_1 = arith.constant 0 : i32
    return %c0_i32, %c0_i32_0 : i32, i32
  }
  func.func @transform_3(%arg0: i32) -> (i32, i32) {
    %c0_i32 = arith.constant 0 : i32
    %c0_i32_0 = arith.constant 0 : i32
    %c0_i32_1 = arith.constant 0 : i32
    return %c0_i32, %c0_i32_0 : i32, i32
  }
  func.func @transform_4(%arg0: i32) -> (i32, i32) {
    %c0_i32 = arith.constant 0 : i32
    %c0_i32_0 = arith.constant 0 : i32
    %c0_i32_1 = arith.constant 0 : i32
    return %c0_i32, %c0_i32_0 : i32, i32
  }
  func.func @transform_5(%arg0: i32) -> (i32, i32) {
    %c0_i32 = arith.constant 0 : i32
    %c0_i32_0 = arith.constant 0 : i32
    %c0_i32_1 = arith.constant 0 : i32
    return %c0_i32, %c0_i32_0 : i32, i32
  }
  func.func @transform_6(%arg0: i32) -> (i32, i32) {
    %c0_i32 = arith.constant 0 : i32
    %c0_i32_0 = arith.constant 0 : i32
    %c0_i32_1 = arith.constant 0 : i32
    return %c0_i32, %c0_i32_0 : i32, i32
  }
  func.func @transform_7(%arg0: i32) -> i32 {
    %c0_i32 = arith.constant 0 : i32
    %c0_i32_0 = arith.constant 0 : i32
    return %c0_i32 : i32
  }
  func.func @transform_8(%arg0: i32) -> (i32, i32) {
    %c0_i32 = arith.constant 0 : i32
    %c0_i32_0 = arith.constant 0 : i32
    return %arg0, %c0_i32 : i32, i32
  }
}

</mosaic_0001>

<sc_bundles>
// kernel: kernel.5.cloned.1.call-start
scs
__scs_entry_jumppad:
0x0: {  	(pc) =	sbr.rel $0x88, $3  }
0x1: {  	(tag) =	ssettag $0x0;
	lr =	simm.s32 $0x1  }
0x2: {  	[smem:$0x3F91] =	sst lr;
	_ =	strace $0xD0000000  }
0x3: {  	_ = 	snop  }
0x4: {  	_ = 	snop  }
0x5: {  	_ = 	snop  }
0x6: {  	_ = 	snop  }
0x7: {  	_ = 	snop  }
__scs_overlays_trampoline_lowered:
0x8: {  	[smem:$0x3FA0] =	sst s0  }
0x9: {  	[smem:$0x3FA1] =	sst s1  }
0xa: {  	[smem:$0x3FA2] =	sst s2  }
0xb: {  	[smem:$0x3FA3] =	sst s3  }
0xc: {  	[smem:$0x3FA4] =	sst s4  }
0xd: {  	[smem:$0x3FA5] =	sst s5  }
0xe: {  	[smem:$0x3FA6] =	sst s6  }
0xf: {  	[smem:$0x3FA7] =	sst s7  }
0x10: {  	[smem:$0x3FA8] =	sst s8  }
0x11: {  	[smem:$0x3FA9] =	sst s9;
	s0 =	simm.s32 @!p0 $0x0  }
0x12: {  	s1 =	sld [smem:$0x3F8F];
	s0 =	simm.s32 @p0 $0x1  }
0x13: {  	[smem:$0x3FAA] =	sst s0;
	s0 =	simm.s32 @!p1 $0x0  }
0x14: {  	s2 =	sld [smem:$0x3F8E];
	s0 =	simm.s32 @p1 $0x1  }
0x15: {  	[smem:$0x3FAB] =	sst s0;
	s0 =	simm.s32 @!p2 $0x0  }
0x16: {  	s3 =	sld [smem:$0x3FDB];
	s0 =	simm.s32 @p2 $0x1  }
0x17: {  	s4 =	simm.s32 $0x1BF5;
	[smem:$0x3FAD] =	sst s0  }
0x18: {  	s0 =	sld [smem:$0x3F90];
	_ =	swait.ge [sflag:s4], $0x0  }
0x19: {  	s7 =	sld [smem:$0x3F91]  }
0x1a: {  	s8 =	sadd.s32 $0xFFFFE003, lr  }
0x1b: {  	s9 =	sadd.s32 $0xFFFFFEF7, lr;
	s5 =	simm.s32 $0xFFFFFFFF;
	p2 =	slt.u32 s8, $0xFFFFF086  }
0x1c: {  	p1 =	slt.u32 s9, $0xF7A;
	s5 =	simm.s32 @!p2 $0x0  }
0x1d: {  	s5 =	simm.s32 @p1 $0x1;
	p0 =	seq.s32 s7, s2  }
0x1e: {  	s7 =	smul.u32 @!p0 $0xF7A, s2;
	p2 =	seq.s32 @!p0 s5, $0x0  }
0x1f: {  	s9 =	smul.u32 $0xF7A, s1;
	s8 =	simm.s32 @!p0 $0x1BF5;
	p2 =	por !p2, p0  }
0x20: {  	[sflag:s8] =	ssyncset.s32 @!p0 $0xFFFFF086;
	s6 =	sadd.s32 @!p0 s3, s7;
	s7 =	simm.s32 @!p0 $0x108  }
0x21: {  	s3 =	sadd.s32 s3, s9;
	s6 =	sadd.s32 @!p0 $0x88, s6;
	s7 =	simm.s32 @p2 $0x1082  }
0x22: {  	[simem:s7], [sflag:s8] =	dma.local @!p0 [hbm:s6], $0xF7A  }
0x23: {  	s9 =	sor.u32 $0xD0000000, s2;
	s6 =	simm.s32 $0x108;
	_ =	swait.ge @!p0 [sflag:s8], $0x0  }
0x24: {  	s3 =	sadd.s32 $0x88, s3;
	s6 =	simm.s32 @!p1 $0x1082;
	[sflag:s4] =	ssyncset.s32 $0xFFFFF086  }
0x25: {  	[simem:s6], [sflag:s4] =	dma.local [hbm:s3], $0xF7A  }
0x26: {  	[smem:$0x3F91] =	sst s1;
	(tag) =	ssettag s2;
	_ =	strace s9  }
0x27: {  	s1 =	sld [smem:$0x3FA1]  }
0x28: {  	s2 =	sld [smem:$0x3FA2]  }
0x29: {  	s4 =	sld [smem:$0x3FA4]  }
0x2a: {  	p0 =	seq.s32 s5, $0x0;
	s5 =	sld [smem:$0x3FA5]  }
0x2b: {  	s6 =	sld [smem:$0x3FA6]  }
0x2c: {  	s7 =	sld [smem:$0x3FA7]  }
0x2d: {  	s3 =	simm.s32 $0x108;
	s8 =	sld [smem:$0x3FA8]  }
0x2e: {  	s3 =	simm.s32 @!p0 $0x1082;
	s9 =	sld [smem:$0x3FA9]  }
0x2f: {  	lr =	sadd.s32 s0, s3;
	s0 =	sld [smem:$0x3FA0]  }
0x30: {  	s3 =	sld [smem:$0x3FA3]  }
0x31: {  	[smem:$0x3FAC] =	sst s10  }
0x32: {  	s10 =	sld [smem:$0x3FAA];
	_ =	sdelay $0x3  }
0x33: {  	p0 =	seq.s32 s10, $0x1;
	s10 =	sld [smem:$0x3FAC];
	_ =	sdelay $0x3  }
0x34: {  	[smem:$0x3FAC] =	sst s10  }
0x35: {  	s10 =	sld [smem:$0x3FAB];
	_ =	sdelay $0x3  }
0x36: {  	p1 =	seq.s32 s10, $0x1;
	s10 =	sld [smem:$0x3FAC];
	_ =	sdelay $0x3  }
0x37: {  	[smem:$0x3FAC] =	sst s10  }
0x38: {  	s10 =	sld [smem:$0x3FAD]  }
0x39: {  	_ = 	snop;
	(pc) =	sbr.ind lr, $3  }
0x3a: {  	_ = 	snop  }
0x3b: {  	_ = 	snop  }
0x3c: {  	p2 =	seq.s32 s10, $0x1;
	s10 =	sld [smem:$0x3FAC]  }
0x3d: {  	_ =	shalt  }
0x3e: {  	_ =	shalt  }
0x3f: {  	_ =	shalt  }
0x40: {  	_ =	shalt  }
0x41: {  	_ =	shalt  }
0x42: {  	_ =	shalt  }
0x43: {  	_ =	shalt  }
0x44: {  	_ =	shalt  }
0x45: {  	_ =	shalt  }
0x46: {  	_ =	shalt  }
0x47: {  	_ =	shalt  }
0x48: {  	_ =	shalt  }
0x49: {  	_ =	shalt  }
0x4a: {  	_ =	shalt  }
0x4b: {  	_ =	shalt  }
0x4c: {  	_ =	shalt  }
0x4d: {  	_ =	shalt  }
0x4e: {  	_ =	shalt  }
0x4f: {  	_ =	shalt  }
0x50: {  	_ =	shalt  }
0x51: {  	_ =	shalt  }
0x52: {  	_ =	shalt  }
0x53: {  	_ =	shalt  }
0x54: {  	_ =	shalt  }
0x55: {  	_ =	shalt  }
0x56: {  	_ =	shalt  }
0x57: {  	_ =	shalt  }
0x58: {  	_ =	shalt  }
0x59: {  	_ =	shalt  }
0x5a: {  	_ =	shalt  }
0x5b: {  	_ =	shalt  }
0x5c: {  	_ =	shalt  }
0x5d: {  	_ =	shalt  }
0x5e: {  	_ =	shalt  }
0x5f: {  	_ =	shalt  }
0x60: {  	_ =	shalt  }
0x61: {  	_ =	shalt  }
0x62: {  	_ =	shalt  }
0x63: {  	_ =	shalt  }
0x64: {  	_ =	shalt  }
0x65: {  	_ =	shalt  }
0x66: {  	_ =	shalt  }
0x67: {  	_ =	shalt  }
0x68: {  	_ =	shalt  }
0x69: {  	_ =	shalt  }
0x6a: {  	_ =	shalt  }
0x6b: {  	_ =	shalt  }
0x6c: {  	_ =	shalt  }
0x6d: {  	_ =	shalt  }
0x6e: {  	_ =	shalt  }
0x6f: {  	_ =	shalt  }
0x70: {  	_ =	shalt  }
0x71: {  	_ =	shalt  }
0x72: {  	_ =	shalt  }
0x73: {  	_ =	shalt  }
0x74: {  	_ =	shalt  }
0x75: {  	_ =	shalt  }
0x76: {  	_ =	shalt  }
0x77: {  	_ =	shalt  }
0x78: {  	_ =	shalt  }
0x79: {  	_ =	shalt  }
0x7a: {  	_ =	shalt  }
0x7b: {  	_ =	shalt  }
0x7c: {  	_ =	shalt  }
0x7d: {  	_ =	shalt  }
0x7e: {  	_ =	shalt  }
0x7f: {  	_ =	shalt  }
0x80: {  	_ =	shalt  }
0x81: {  	_ =	shalt  }
0x82: {  	_ =	shalt  }
0x83: {  	_ =	shalt  }
0x84: {  	_ =	shalt  }
0x85: {  	_ =	shalt  }
0x86: {  	_ =	shalt  }
0x87: {  	_ =	shalt  }
.Lfunc_end0:
.L_simem_size_0:
called_computation_lowered:
.L_overlay_start_0:
0x88: {  	s2 =	sld [smem:$0x3FD9]  }
0x89: {  	s3 =	sld [smem:$0x3FFE];
	_ =	sdelay $0x1  }
0x8a: {  	s1 =	srdreg.scid  }
0x8b: {  	s0 =	sand.u32 $0x1, s1  }
0x8c: {  	s17 =	sshll.u32 s0, $0xA;
	s2 =	sadd.s32 s3, s2  }
0x8d: {  	s2 =	sadd.s32 s2, s17  }
0x8e: {  	[smem:$0x3FB8] =	sst s2  }
0x8f: {  	_ = 	snop  }
0x90: {  	s2 =	sld [smem:$0x3FD0];
	(tm) =	ssettm $0x1  }
0x91: {  	s18 =	sld [smem:$0x3FFB];
	_ =	sdelay $0x3  }
0x92: {  	_ =	strace s18  }
0x93: {  	s3 =	sld [smem:$0x3FFC];
	_ =	sdelay $0x3  }
0x94: {  	_ =	strace s3  }
0x95: {  	s3 =	sld [smem:$0x3FFD];
	_ =	sdelay $0x3  }
0x96: {  	_ =	strace s3  }
0x97: {  	_ =	strace $0x8FFFFFFF  }
0x98: {  	s19 =	sld [smem:$0x3FDB];
	_ =	sdelay $0x1  }
0x99: {  	s4 =	simm.s32 $_scs_section_size  }
0x9a: {  	s5 =	simm.s32 $_size__tile_overlayer_lowered;
	s6 =	simm.s32 $_tile_overlayer_lowered  }
0x9b: {  	s22 =	simm.s32 $0x1BFF;
	s21 =	sshll.u32 s6, $0x1;
	s3 =	sadd.s32 s4, s19  }
0x9c: {  	s7 =	simm.s32 $0x0;
	s20 =	sshll.u32 s5, $0x1;
	s5 =	sadd.s32 s21, s3  }
0x9d: {  	[timem:s7], [sflag:s22] =	dma.local [hbm:s5], s20  }
0x9e: {  	_ =	swait.ge [sflag:s22], s20  }
0x9f: {  	s4 =	ssub.s32 $0x0, s20;
	[sflag:s22] =	ssyncset.done $0x0  }
0xa0: {  	[sflag:s22] =	ssyncadd.s32 s4;
	_ =	sdelay $0x1  }
0xa1: {  	s23 =	simm.s32 $0x1B8B  }
0xa2: {  	_ =	swait.ge [sflag:s23], $0x1  }
0xa3: {  	[sflag:s23] =	ssyncset.done $0x0  }
0xa4: {  	s25 =	simm.s32 $0x1B8E;
	s24 =	sld [smem:$0x3FFE];
	[sflag:s23] =	ssyncadd.s32 $0xFFFFFFFF  }
0xa5: {  	s26 =	simm.s32 $execute0_lowered;
	[smem:$0x3FD2] =	sst s25  }
0xa6: {  	s5 =	sshll.u32 s26, $0x1;
	_ =	strace $0x80000046;
	[dreg:$0x1] =	wrdreg $0xFFFFFFFF  }
0xa7: {  	s28 =	simm.s32 $_size_execute0_lowered;
	s3 =	sadd.s32 s3, s5;
	[dreg:$0x0] =	wrdreg $0x0  }
0xa8: {  	s5 =	sshll.u32 s28, $0x1;
	[dreg:$0x2] =	wrdreg s3  }
0xa9: {  	[dreg:$0x3] =	wrdreg s5  }
0xaa: {  	[dreg:$0x4] =	wrdreg $0xC0  }
0xab: {  	_ =	task [dreg:s7], $0x5FFFF  }
0xac: {  	[dreg:$0x1] =	wrdreg $0xFFFFFFFF  }
0xad: {  	[dreg:$0x0] =	wrdreg $0x60  }
0xae: {  	[dreg:$0x2] =	wrdreg s24  }
0xaf: {  	[dreg:$0x3] =	wrdreg s2  }
0xb0: {  	[dreg:$0x4] =	wrdreg $0x9  }
0xb1: {  	_ =	task.clear_ibuf [dreg:s7], $0x5FFFF;
	_ =	strace $0x90000046  }
0xb2: {  	s29 =	simm.s32 $0x9;
	_ =	strace $0x80000048  }
0xb3: {  	_ =	swait.ge [sflag:s29], $0x1  }
0xb4: {  	[sflag:s29] =	ssyncadd.s32 $0xFFFFFFFF  }
0xb5: {  	_ =	strace $0x90000048  }
0xb6: {  	_ =	sfence  }
0xb7: {  	s30 =	sld [smem:$0x0];
	_ =	sdelay $0x2  }
0xb8: {  	s31 =	sshll.u32 s1, $0xD;
	s1 =	sshrl.u32 s1, $0x2  }
0xb9: {  	s3 =	sand.u32 $0x4000, s31;
	s1 =	sadd.s32 s1, s30  }
0xba: {  	s0 =	sor.u32 s3, s0;
	s1 =	sshll.u32 s1, $0x11  }
0xbb: {  	s0 =	sor.u32 s1, s0  }
0xbc: {  	s0 =	sadd.s32 $0x8F2B, s0  }
0xbd: {  	[sflag:s0] =	ssyncadd.remote.s32 $0x1  }
0xbe: {  	_ =	sfence.sel $0xFFFF  }
0xbf: {  	[dreg:$0x0] =	wrdreg $0xFFFFFFFF;
	(pc) =	sbr.abs _section_cstart, $3  }
0xc0: {  	[dreg:$0x1] =	wrdreg $0xFFFFFFFF  }
0xc1: {  	_ =	task.clear_ibuf [dreg:s7], $0x2FFFF;
	_ =	strace $0x9FFFFFFF  }
0xc2: {  	(tm) =	ssettm $0x7FFFFFFF  }
0xc3: {  	_ =	shalt  }
tec
execute0_lowered:
.L_overlay_start_1:
0x0: {  	(tag) =	ssettag $0x1  }
0x1: {  	s1 =	srdreg.scid;
	s0 =	stileid.u32  }
0x2: {  	s29 =	sand.u32 $0x1, s1;
	s26 =	sshll.u32 s0, $0x1  }
0x3: {  	s1 =	sor.u32 s29, s26  }
0x4: {  	s13 =	rddreg [dreg:$0x0];
	s30 =	smul.u32 $0x2710, s1  }
0x5: {  	s28 =	rddreg [dreg:$0x1]  }
0x6: {  	s2 =	simm.s32 $0x0;
	s26 =	sadd.s32 $0x2200, s13;
	s1 =	sshrl.u32 s30, $0x3  }
0x7: {  	[smem:$0x7FF] =	sst s2;
	s3 =	sadd.s32 s26, s1  }
0x8: {  	_ =	strace $0x80000047;
	[dreg:$0x3] =	wrdreg s3  }
0x9: {  	s3 =	simm.s32 $0x3;
	s4 =	rddreg [dreg:$0x3]  }
0xa: {  	[tilespmem:s2], [sflag:$0x3] =	stream.linear.gather [hbm4b:s4+s2], $0x7D0, $0x38;
	[tilespmem:$0x8CA0] =	vst v63  }
0xb: {  	_ =	swait.ge [sflag:s3], $0x7D0  }
0xc: {  	[sflag:s3] =	ssyncset.done $0x0  }
0xd: {  	s5 =	simm.s32 $0x7D0;
	s4 =	sadd.s32 s28, s1;
	[sflag:s3] =	ssyncadd.s32 $0xFFFFF830  }
0xe: {  	[tilespmem:s5], [sflag:$0x3] =	stream.linear.gather [hbm4b:s4+s2], $0x7D0, $0x38;
	[tilespmem:$0x8CA0] =	vst v63  }
0xf: {  	_ =	swait.ge [sflag:s3], $0x7D0  }
0x10: {  	[sflag:s3] =	ssyncset.done $0x0  }
0x11: {  	s7 =	simm.s32 $0xFA0;
	s6 =	sadd.s32 $0xC000, s13;
	[sflag:s3] =	ssyncadd.s32 $0xFFFFF830  }
0x12: {  	[tilespmem:s7], [sflag:$0x1] =	stream.indirect.gather [hbm4b:s6+s5], $0x8, s2, s5, $0xb8;
	[tilespmem:$0x8CA0] =	vst v63  }
0x13: {  	s9 =	simm.s32 $0x4E20;
	s10 =	simm.s32 $0x1;
	s8 =	sadd.s32 $0xE800, s13  }
0x14: {  	[tilespmem:s9], [sflag:$0x2] =	stream.indirect.gather [hbm4b:s8+s5], $0x8, s5, s5, $0xb8;
	[tilespmem:$0x8CA0] =	vst v63  }
0x15: {  	_ =	swait.ge [sflag:s10], $0x3E80  }
0x16: {  	[sflag:s10] =	ssyncset.done $0x0  }
0x17: {  	s11 =	simm.s32 $0x2;
	[sflag:s10] =	ssyncadd.s32 $0xFFFFC180  }
0x18: {  	_ =	swait.ge [sflag:s11], $0x3E80  }
0x19: {  	s1 =	sadd.s32 $0x11000, s13;
	[sflag:s11] =	ssyncset.done $0x0  }
0x1a: {  	s12 =	sadd.s32 s1, s30;
	[sflag:s11] =	ssyncadd.s32 $0xFFFFC180  }
0x1b: {  	[hbm4b:s12+s2] =	stream.linear.scatter [tilespmem:s7], [sflag:$0x3], $0x3E80, $0x38;
	[tilespmem:$0x8CA0] =	vst v63  }
0x1c: {  	_ =	swait.ge [sflag:s3], $0x3E80  }
0x1d: {  	s31 =	sadd.s32 $0x5F200, s13;
	[sflag:s3] =	ssyncset.done $0x0  }
0x1e: {  	s13 =	sadd.s32 s31, s30;
	[sflag:s3] =	ssyncadd.s32 $0xFFFFC180  }
0x1f: {  	[hbm4b:s13+s2] =	stream.linear.scatter [tilespmem:s9], [sflag:$0x3], $0x3E80, $0x38;
	[tilespmem:$0x8CA0] =	vst v63  }
0x20: {  	s17 =	sadd.s32 $0x7D0, s30;
	_ =	swait.ge [sflag:s3], $0x3E80  }
0x21: {  	s15 =	sshrl.u32 s17, $0x3;
	[sflag:s3] =	ssyncset.done $0x0  }
0x22: {  	s14 =	sadd.s32 s26, s15;
	[sflag:s3] =	ssyncadd.s32 $0xFFFFC180  }
0x23: {  	[tilespmem:s2], [sflag:$0x3] =	stream.linear.gather [hbm4b:s14+s2], $0x7D0, $0x38;
	[tilespmem:$0x8CA0] =	vst v63  }
0x24: {  	_ =	swait.ge [sflag:s3], $0x7D0  }
0x25: {  	[sflag:s3] =	ssyncset.done $0x0  }
0x26: {  	s15 =	sadd.s32 s28, s15;
	[sflag:s3] =	ssyncadd.s32 $0xFFFFF830  }
0x27: {  	[tilespmem:s5], [sflag:$0x3] =	stream.linear.gather [hbm4b:s15+s2], $0x7D0, $0x38;
	[tilespmem:$0x8CA0] =	vst v63  }
0x28: {  	_ =	swait.ge [sflag:s3], $0x7D0  }
0x29: {  	[sflag:s3] =	ssyncset.done $0x0  }
0x2a: {  	[sflag:s3] =	ssyncadd.s32 $0xFFFFF830  }
0x2b: {  	[tilespmem:s7], [sflag:$0x1] =	stream.indirect.gather [hbm4b:s6+s5], $0x8, s2, s5, $0xb8;
	[tilespmem:$0x8CA0] =	vst v63  }
0x2c: {  	_ = 	snop  }
0x2d: {  	[tilespmem:s9], [sflag:$0x2] =	stream.indirect.gather [hbm4b:s8+s5], $0x8, s5, s5, $0xb8;
	[tilespmem:$0x8CA0] =	vst v63  }
0x2e: {  	_ =	swait.ge [sflag:s10], $0x3E80  }
0x2f: {  	[sflag:s10] =	ssyncset.done $0x0  }
0x30: {  	[sflag:s10] =	ssyncadd.s32 $0xFFFFC180  }
0x31: {  	_ =	swait.ge [sflag:s11], $0x3E80  }
0x32: {  	[sflag:s11] =	ssyncset.done $0x0  }
0x33: {  	s16 =	sadd.s32 s1, s17;
	[sflag:s11] =	ssyncadd.s32 $0xFFFFC180  }
0x34: {  	[hbm4b:s16+s2] =	stream.linear.scatter [tilespmem:s7], [sflag:$0x3], $0x3E80, $0x38;
	[tilespmem:$0x8CA0] =	vst v63  }
0x35: {  	_ =	swait.ge [sflag:s3], $0x3E80  }
0x36: {  	[sflag:s3] =	ssyncset.done $0x0  }
0x37: {  	s17 =	sadd.s32 s31, s17;
	[sflag:s3] =	ssyncadd.s32 $0xFFFFC180  }
0x38: {  	[hbm4b:s17+s2] =	stream.linear.scatter [tilespmem:s9], [sflag:$0x3], $0x3E80, $0x38;
	[tilespmem:$0x8CA0] =	vst v63  }
0x39: {  	s21 =	sadd.s32 $0xFA0, s30;
	_ =	swait.ge [sflag:s3], $0x3E80  }
0x3a: {  	s19 =	sshrl.u32 s21, $0x3;
	[sflag:s3] =	ssyncset.done $0x0  }
0x3b: {  	s18 =	sadd.s32 s26, s19;
	[sflag:s3] =	ssyncadd.s32 $0xFFFFC180  }
0x3c: {  	[tilespmem:s2], [sflag:$0x3] =	stream.linear.gather [hbm4b:s18+s2], $0x7D0, $0x38;
	[tilespmem:$0x8CA0] =	vst v63  }
0x3d: {  	_ =	swait.ge [sflag:s3], $0x7D0  }
0x3e: {  	[sflag:s3] =	ssyncset.done $0x0  }
0x3f: {  	s19 =	sadd.s32 s28, s19;
	[sflag:s3] =	ssyncadd.s32 $0xFFFFF830  }
0x40: {  	[tilespmem:s5], [sflag:$0x3] =	stream.linear.gather [hbm4b:s19+s2], $0x7D0, $0x38;
	[tilespmem:$0x8CA0] =	vst v63  }
0x41: {  	_ =	swait.ge [sflag:s3], $0x7D0  }
0x42: {  	[sflag:s3] =	ssyncset.done $0x0  }
0x43: {  	[sflag:s3] =	ssyncadd.s32 $0xFFFFF830  }
0x44: {  	[tilespmem:s7], [sflag:$0x1] =	stream.indirect.gather [hbm4b:s6+s5], $0x8, s2, s5, $0xb8;
	[tilespmem:$0x8CA0] =	vst v63  }
0x45: {  	_ = 	snop  }
0x46: {  	[tilespmem:s9], [sflag:$0x2] =	stream.indirect.gather [hbm4b:s8+s5], $0x8, s5, s5, $0xb8;
	[tilespmem:$0x8CA0] =	vst v63  }
0x47: {  	_ =	swait.ge [sflag:s10], $0x3E80  }
0x48: {  	[sflag:s10] =	ssyncset.done $0x0  }
0x49: {  	[sflag:s10] =	ssyncadd.s32 $0xFFFFC180  }
0x4a: {  	_ =	swait.ge [sflag:s11], $0x3E80  }
0x4b: {  	[sflag:s11] =	ssyncset.done $0x0  }
0x4c: {  	s20 =	sadd.s32 s1, s21;
	[sflag:s11] =	ssyncadd.s32 $0xFFFFC180  }
0x4d: {  	[hbm4b:s20+s2] =	stream.linear.scatter [tilespmem:s7], [sflag:$0x3], $0x3E80, $0x38;
	[tilespmem:$0x8CA0] =	vst v63  }
0x4e: {  	_ =	swait.ge [sflag:s3], $0x3E80  }
0x4f: {  	[sflag:s3] =	ssyncset.done $0x0  }
0x50: {  	s21 =	sadd.s32 s31, s21;
	[sflag:s3] =	ssyncadd.s32 $0xFFFFC180  }
0x51: {  	[hbm4b:s21+s2] =	stream.linear.scatter [tilespmem:s9], [sflag:$0x3], $0x3E80, $0x38;
	[tilespmem:$0x8CA0] =	vst v63  }
0x52: {  	s25 =	sadd.s32 $0x1770, s30;
	_ =	swait.ge [sflag:s3], $0x3E80  }
0x53: {  	s23 =	sshrl.u32 s25, $0x3;
	[sflag:s3] =	ssyncset.done $0x0  }
0x54: {  	s22 =	sadd.s32 s26, s23;
	[sflag:s3] =	ssyncadd.s32 $0xFFFFC180  }
0x55: {  	[tilespmem:s2], [sflag:$0x3] =	stream.linear.gather [hbm4b:s22+s2], $0x7D0, $0x38;
	[tilespmem:$0x8CA0] =	vst v63  }
0x56: {  	_ =	swait.ge [sflag:s3], $0x7D0  }
0x57: {  	[sflag:s3] =	ssyncset.done $0x0  }
0x58: {  	s23 =	sadd.s32 s28, s23;
	[sflag:s3] =	ssyncadd.s32 $0xFFFFF830  }
0x59: {  	[tilespmem:s5], [sflag:$0x3] =	stream.linear.gather [hbm4b:s23+s2], $0x7D0, $0x38;
	[tilespmem:$0x8CA0] =	vst v63  }
0x5a: {  	_ =	swait.ge [sflag:s3], $0x7D0  }
0x5b: {  	[sflag:s3] =	ssyncset.done $0x0  }
0x5c: {  	[sflag:s3] =	ssyncadd.s32 $0xFFFFF830  }
0x5d: {  	[tilespmem:s7], [sflag:$0x1] =	stream.indirect.gather [hbm4b:s6+s5], $0x8, s2, s5, $0xb8;
	[tilespmem:$0x8CA0] =	vst v63  }
0x5e: {  	_ = 	snop  }
0x5f: {  	[tilespmem:s9], [sflag:$0x2] =	stream.indirect.gather [hbm4b:s8+s5], $0x8, s5, s5, $0xb8;
	[tilespmem:$0x8CA0] =	vst v63  }
0x60: {  	_ =	swait.ge [sflag:s10], $0x3E80  }
0x61: {  	[sflag:s10] =	ssyncset.done $0x0  }
0x62: {  	[sflag:s10] =	ssyncadd.s32 $0xFFFFC180  }
0x63: {  	_ =	swait.ge [sflag:s11], $0x3E80  }
0x64: {  	[sflag:s11] =	ssyncset.done $0x0  }
0x65: {  	s24 =	sadd.s32 s1, s25;
	[sflag:s11] =	ssyncadd.s32 $0xFFFFC180  }
0x66: {  	[hbm4b:s24+s2] =	stream.linear.scatter [tilespmem:s7], [sflag:$0x3], $0x3E80, $0x38;
	[tilespmem:$0x8CA0] =	vst v63  }
0x67: {  	_ =	swait.ge [sflag:s3], $0x3E80  }
0x68: {  	[sflag:s3] =	ssyncset.done $0x0  }
0x69: {  	s25 =	sadd.s32 s31, s25;
	[sflag:s3] =	ssyncadd.s32 $0xFFFFC180  }
0x6a: {  	[hbm4b:s25+s2] =	stream.linear.scatter [tilespmem:s9], [sflag:$0x3], $0x3E80, $0x38;
	[tilespmem:$0x8CA0] =	vst v63  }
0x6b: {  	s30 =	sadd.s32 $0x1F40, s30;
	_ =	swait.ge [sflag:s3], $0x3E80  }
0x6c: {  	s0 =	sshrl.u32 s30, $0x3;
	[sflag:s3] =	ssyncset.done $0x0  }
0x6d: {  	s26 =	sadd.s32 s26, s0;
	[sflag:s3] =	ssyncadd.s32 $0xFFFFC180  }
0x6e: {  	[tilespmem:s2], [sflag:$0x3] =	stream.linear.gather [hbm4b:s26+s2], $0x7D0, $0x38;
	[tilespmem:$0x8CA0] =	vst v63  }
0x6f: {  	_ =	swait.ge [sflag:s3], $0x7D0  }
0x70: {  	[sflag:s3] =	ssyncset.done $0x0  }
0x71: {  	s28 =	sadd.s32 s28, s0;
	[sflag:s3] =	ssyncadd.s32 $0xFFFFF830  }
0x72: {  	[tilespmem:s5], [sflag:$0x3] =	stream.linear.gather [hbm4b:s28+s2], $0x7D0, $0x38;
	[tilespmem:$0x8CA0] =	vst v63  }
0x73: {  	_ =	swait.ge [sflag:s3], $0x7D0  }
0x74: {  	[sflag:s3] =	ssyncset.done $0x0  }
0x75: {  	[sflag:s3] =	ssyncadd.s32 $0xFFFFF830  }
0x76: {  	[tilespmem:s7], [sflag:$0x1] =	stream.indirect.gather [hbm4b:s6+s5], $0x8, s2, s5, $0xb8;
	[tilespmem:$0x8CA0] =	vst v63  }
0x77: {  	_ = 	snop  }
0x78: {  	[tilespmem:s9], [sflag:$0x2] =	stream.indirect.gather [hbm4b:s8+s5], $0x8, s5, s5, $0xb8;
	[tilespmem:$0x8CA0] =	vst v63  }
0x79: {  	_ =	swait.ge [sflag:s10], $0x3E80  }
0x7a: {  	s0 =	ssub.s32 $0x2, s29;
	[sflag:s10] =	ssyncset.done $0x0  }
0x7b: {  	s29 =	sadd.s32 s1, s30;
	s1 =	sshrl.u32 s0, $0x1;
	[sflag:s10] =	ssyncadd.s32 $0xFFFFC180  }
0x7c: {  	s0 =	ssub.s32 s0, s1;
	_ =	swait.ge [sflag:s11], $0x3E80  }
0x7d: {  	s0 =	smax.u32 s0, $0x1;
	[sflag:s11] =	ssyncset.done $0x0  }
0x7e: {  	p0 =	sne.s32 s0, $0x1;
	[sflag:s11] =	ssyncadd.s32 $0xFFFFC180  }
0x7f: {  	[hbm4b:s29+s2] =	stream.linear.scatter [tilespmem:s7], [sflag:$0x3], $0x3E80, $0x38;
	[tilespmem:$0x8CA0] =	vst v63  }
.Ltmp0:
0x80: {  	_ =	swait.ge [sflag:s3], $0x3E80;
	(pc) =	sbr.rel @!p0 .LBB2_2-.Ltmp0, $4  }
0x81: {  	[sflag:s3] =	ssyncset.done $0x0  }
0x82: {  	s30 =	sadd.s32 s31, s30;
	[sflag:s3] =	ssyncadd.s32 $0xFFFFC180  }
0x83: {  	[hbm4b:s30+s2] =	stream.linear.scatter [tilespmem:s9], [sflag:$0x3], $0x3E80, $0x38;
	[tilespmem:$0x8CA0] =	vst v63  }
0x84: {  	s31 =	sadd.s32 $0xFFFFFFFF, s0;
	_ =	swait.ge [sflag:s3], $0x3E80  }
.LBB2_1:
0x85: {  	[sflag:s3] =	ssyncset.done $0x0  }
0x86: {  	s0 =	rddreg [dreg:$0x3];
	[sflag:s3] =	ssyncadd.s32 $0xFFFFC180  }
0x87: {  	[tilespmem:s2], [sflag:$0x3] =	stream.linear.gather [hbm4b:s0+s2], $0x7D0, $0x38;
	[tilespmem:$0x8CA0] =	vst v63  }
0x88: {  	_ =	swait.ge [sflag:s3], $0x7D0  }
0x89: {  	[sflag:s3] =	ssyncset.done $0x0  }
0x8a: {  	[sflag:s3] =	ssyncadd.s32 $0xFFFFF830  }
0x8b: {  	[tilespmem:s5], [sflag:$0x3] =	stream.linear.gather [hbm4b:s4+s2], $0x7D0, $0x38;
	[tilespmem:$0x8CA0] =	vst v63  }
0x8c: {  	_ =	swait.ge [sflag:s3], $0x7D0  }
0x8d: {  	[sflag:s3] =	ssyncset.done $0x0  }
0x8e: {  	[sflag:s3] =	ssyncadd.s32 $0xFFFFF830  }
0x8f: {  	[tilespmem:s7], [sflag:$0x1] =	stream.indirect.gather [hbm4b:s6+s5], $0x8, s2, s5, $0xb8;
	[tilespmem:$0x8CA0] =	vst v63  }
0x90: {  	_ = 	snop  }
0x91: {  	[tilespmem:s9], [sflag:$0x2] =	stream.indirect.gather [hbm4b:s8+s5], $0x8, s5, s5, $0xb8;
	[tilespmem:$0x8CA0] =	vst v63  }
0x92: {  	_ =	swait.ge [sflag:s10], $0x3E80  }
0x93: {  	[sflag:s10] =	ssyncset.done $0x0  }
0x94: {  	[sflag:s10] =	ssyncadd.s32 $0xFFFFC180  }
0x95: {  	_ =	swait.ge [sflag:s11], $0x3E80  }
0x96: {  	[sflag:s11] =	ssyncset.done $0x0  }
0x97: {  	[sflag:s11] =	ssyncadd.s32 $0xFFFFC180  }
0x98: {  	[hbm4b:s12+s2] =	stream.linear.scatter [tilespmem:s7], [sflag:$0x3], $0x3E80, $0x38;
	[tilespmem:$0x8CA0] =	vst v63  }
0x99: {  	_ =	swait.ge [sflag:s3], $0x3E80  }
0x9a: {  	[sflag:s3] =	ssyncset.done $0x0  }
0x9b: {  	[sflag:s3] =	ssyncadd.s32 $0xFFFFC180  }
0x9c: {  	[hbm4b:s13+s2] =	stream.linear.scatter [tilespmem:s9], [sflag:$0x3], $0x3E80, $0x38;
	[tilespmem:$0x8CA0] =	vst v63  }
0x9d: {  	_ =	swait.ge [sflag:s3], $0x3E80  }
0x9e: {  	[sflag:s3] =	ssyncset.done $0x0  }
0x9f: {  	[sflag:s3] =	ssyncadd.s32 $0xFFFFC180  }
0xa0: {  	[tilespmem:s2], [sflag:$0x3] =	stream.linear.gather [hbm4b:s14+s2], $0x7D0, $0x38;
	[tilespmem:$0x8CA0] =	vst v63  }
0xa1: {  	_ =	swait.ge [sflag:s3], $0x7D0  }
0xa2: {  	[sflag:s3] =	ssyncset.done $0x0  }
0xa3: {  	[sflag:s3] =	ssyncadd.s32 $0xFFFFF830  }
0xa4: {  	[tilespmem:s5], [sflag:$0x3] =	stream.linear.gather [hbm4b:s15+s2], $0x7D0, $0x38;
	[tilespmem:$0x8CA0] =	vst v63  }
0xa5: {  	_ =	swait.ge [sflag:s3], $0x7D0  }
0xa6: {  	[sflag:s3] =	ssyncset.done $0x0  }
0xa7: {  	[sflag:s3] =	ssyncadd.s32 $0xFFFFF830  }
0xa8: {  	[tilespmem:s7], [sflag:$0x1] =	stream.indirect.gather [hbm4b:s6+s5], $0x8, s2, s5, $0xb8;
	[tilespmem:$0x8CA0] =	vst v63  }
0xa9: {  	_ = 	snop  }
0xaa: {  	[tilespmem:s9], [sflag:$0x2] =	stream.indirect.gather [hbm4b:s8+s5], $0x8, s5, s5, $0xb8;
	[tilespmem:$0x8CA0] =	vst v63  }
0xab: {  	_ =	swait.ge [sflag:s10], $0x3E80  }
0xac: {  	[sflag:s10] =	ssyncset.done $0x0  }
0xad: {  	[sflag:s10] =	ssyncadd.s32 $0xFFFFC180  }
0xae: {  	_ =	swait.ge [sflag:s11], $0x3E80  }
0xaf: {  	[sflag:s11] =	ssyncset.done $0x0  }
0xb0: {  	[sflag:s11] =	ssyncadd.s32 $0xFFFFC180  }
0xb1: {  	[hbm4b:s16+s2] =	stream.linear.scatter [tilespmem:s7], [sflag:$0x3], $0x3E80, $0x38;
	[tilespmem:$0x8CA0] =	vst v63  }
0xb2: {  	_ =	swait.ge [sflag:s3], $0x3E80  }
0xb3: {  	[sflag:s3] =	ssyncset.done $0x0  }
0xb4: {  	[sflag:s3] =	ssyncadd.s32 $0xFFFFC180  }
0xb5: {  	[hbm4b:s17+s2] =	stream.linear.scatter [tilespmem:s9], [sflag:$0x3], $0x3E80, $0x38;
	[tilespmem:$0x8CA0] =	vst v63  }
0xb6: {  	_ =	swait.ge [sflag:s3], $0x3E80  }
0xb7: {  	[sflag:s3] =	ssyncset.done $0x0  }
0xb8: {  	[sflag:s3] =	ssyncadd.s32 $0xFFFFC180  }
0xb9: {  	[tilespmem:s2], [sflag:$0x3] =	stream.linear.gather [hbm4b:s18+s2], $0x7D0, $0x38;
	[tilespmem:$0x8CA0] =	vst v63  }
0xba: {  	_ =	swait.ge [sflag:s3], $0x7D0  }
0xbb: {  	[sflag:s3] =	ssyncset.done $0x0  }
0xbc: {  	[sflag:s3] =	ssyncadd.s32 $0xFFFFF830  }
0xbd: {  	[tilespmem:s5], [sflag:$0x3] =	stream.linear.gather [hbm4b:s19+s2], $0x7D0, $0x38;
	[tilespmem:$0x8CA0] =	vst v63  }
0xbe: {  	_ =	swait.ge [sflag:s3], $0x7D0  }
0xbf: {  	[sflag:s3] =	ssyncset.done $0x0  }
0xc0: {  	[sflag:s3] =	ssyncadd.s32 $0xFFFFF830  }
0xc1: {  	[tilespmem:s7], [sflag:$0x1] =	stream.indirect.gather [hbm4b:s6+s5], $0x8, s2, s5, $0xb8;
	[tilespmem:$0x8CA0] =	vst v63  }
0xc2: {  	_ = 	snop  }
0xc3: {  	[tilespmem:s9], [sflag:$0x2] =	stream.indirect.gather [hbm4b:s8+s5], $0x8, s5, s5, $0xb8;
	[tilespmem:$0x8CA0] =	vst v63  }
0xc4: {  	_ =	swait.ge [sflag:s10], $0x3E80  }
0xc5: {  	[sflag:s10] =	ssyncset.done $0x0  }
0xc6: {  	[sflag:s10] =	ssyncadd.s32 $0xFFFFC180  }
0xc7: {  	_ =	swait.ge [sflag:s11], $0x3E80  }
0xc8: {  	[sflag:s11] =	ssyncset.done $0x0  }
0xc9: {  	[sflag:s11] =	ssyncadd.s32 $0xFFFFC180  }
0xca: {  	[hbm4b:s20+s2] =	stream.linear.scatter [tilespmem:s7], [sflag:$0x3], $0x3E80, $0x38;
	[tilespmem:$0x8CA0] =	vst v63  }
0xcb: {  	_ =	swait.ge [sflag:s3], $0x3E80  }
0xcc: {  	[sflag:s3] =	ssyncset.done $0x0  }
0xcd: {  	[sflag:s3] =	ssyncadd.s32 $0xFFFFC180  }
0xce: {  	[hbm4b:s21+s2] =	stream.linear.scatter [tilespmem:s9], [sflag:$0x3], $0x3E80, $0x38;
	[tilespmem:$0x8CA0] =	vst v63  }
0xcf: {  	_ =	swait.ge [sflag:s3], $0x3E80  }
0xd0: {  	[sflag:s3] =	ssyncset.done $0x0  }
0xd1: {  	[sflag:s3] =	ssyncadd.s32 $0xFFFFC180  }
0xd2: {  	[tilespmem:s2], [sflag:$0x3] =	stream.linear.gather [hbm4b:s22+s2], $0x7D0, $0x38;
	[tilespmem:$0x8CA0] =	vst v63  }
0xd3: {  	_ =	swait.ge [sflag:s3], $0x7D0  }
0xd4: {  	[sflag:s3] =	ssyncset.done $0x0  }
0xd5: {  	[sflag:s3] =	ssyncadd.s32 $0xFFFFF830  }
0xd6: {  	[tilespmem:s5], [sflag:$0x3] =	stream.linear.gather [hbm4b:s23+s2], $0x7D0, $0x38;
	[tilespmem:$0x8CA0] =	vst v63  }
0xd7: {  	_ =	swait.ge [sflag:s3], $0x7D0  }
0xd8: {  	[sflag:s3] =	ssyncset.done $0x0  }
0xd9: {  	[sflag:s3] =	ssyncadd.s32 $0xFFFFF830  }
0xda: {  	[tilespmem:s7], [sflag:$0x1] =	stream.indirect.gather [hbm4b:s6+s5], $0x8, s2, s5, $0xb8;
	[tilespmem:$0x8CA0] =	vst v63  }
0xdb: {  	_ = 	snop  }
0xdc: {  	[tilespmem:s9], [sflag:$0x2] =	stream.indirect.gather [hbm4b:s8+s5], $0x8, s5, s5, $0xb8;
	[tilespmem:$0x8CA0] =	vst v63  }
0xdd: {  	_ =	swait.ge [sflag:s10], $0x3E80  }
0xde: {  	[sflag:s10] =	ssyncset.done $0x0  }
0xdf: {  	[sflag:s10] =	ssyncadd.s32 $0xFFFFC180  }
0xe0: {  	_ =	swait.ge [sflag:s11], $0x3E80  }
0xe1: {  	[sflag:s11] =	ssyncset.done $0x0  }
0xe2: {  	[sflag:s11] =	ssyncadd.s32 $0xFFFFC180  }
0xe3: {  	[hbm4b:s24+s2] =	stream.linear.scatter [tilespmem:s7], [sflag:$0x3], $0x3E80, $0x38;
	[tilespmem:$0x8CA0] =	vst v63  }
0xe4: {  	_ =	swait.ge [sflag:s3], $0x3E80  }
0xe5: {  	[sflag:s3] =	ssyncset.done $0x0  }
0xe6: {  	[sflag:s3] =	ssyncadd.s32 $0xFFFFC180  }
0xe7: {  	[hbm4b:s25+s2] =	stream.linear.scatter [tilespmem:s9], [sflag:$0x3], $0x3E80, $0x38;
	[tilespmem:$0x8CA0] =	vst v63  }
0xe8: {  	_ =	swait.ge [sflag:s3], $0x3E80  }
0xe9: {  	[sflag:s3] =	ssyncset.done $0x0  }
0xea: {  	[sflag:s3] =	ssyncadd.s32 $0xFFFFC180  }
0xeb: {  	[tilespmem:s2], [sflag:$0x3] =	stream.linear.gather [hbm4b:s26+s2], $0x7D0, $0x38;
	[tilespmem:$0x8CA0] =	vst v63  }
0xec: {  	_ =	swait.ge [sflag:s3], $0x7D0  }
0xed: {  	[sflag:s3] =	ssyncset.done $0x0  }
0xee: {  	[sflag:s3] =	ssyncadd.s32 $0xFFFFF830  }
0xef: {  	[tilespmem:s5], [sflag:$0x3] =	stream.linear.gather [hbm4b:s28+s2], $0x7D0, $0x38;
	[tilespmem:$0x8CA0] =	vst v63  }
0xf0: {  	_ =	swait.ge [sflag:s3], $0x7D0  }
0xf1: {  	[sflag:s3] =	ssyncset.done $0x0  }
0xf2: {  	[sflag:s3] =	ssyncadd.s32 $0xFFFFF830  }
0xf3: {  	[tilespmem:s7], [sflag:$0x1] =	stream.indirect.gather [hbm4b:s6+s5], $0x8, s2, s5, $0xb8;
	[tilespmem:$0x8CA0] =	vst v63  }
0xf4: {  	_ = 	snop  }
0xf5: {  	[tilespmem:s9], [sflag:$0x2] =	stream.indirect.gather [hbm4b:s8+s5], $0x8, s5, s5, $0xb8;
	[tilespmem:$0x8CA0] =	vst v63  }
0xf6: {  	_ =	swait.ge [sflag:s10], $0x3E80  }
0xf7: {  	[sflag:s10] =	ssyncset.done $0x0  }
0xf8: {  	[sflag:s10] =	ssyncadd.s32 $0xFFFFC180  }
0xf9: {  	_ =	swait.ge [sflag:s11], $0x3E80  }
0xfa: {  	[sflag:s11] =	ssyncset.done $0x0  }
0xfb: {  	p0 =	sne.s32 s31, $0x1;
	[sflag:s11] =	ssyncadd.s32 $0xFFFFC180  }
0xfc: {  	[hbm4b:s29+s2] =	stream.linear.scatter [tilespmem:s7], [sflag:$0x3], $0x3E80, $0x38;
	[tilespmem:$0x8CA0] =	vst v63  }
.Ltmp1:
0xfd: {  	_ =	swait.ge [sflag:s3], $0x3E80;
	(pc) =	sbr.rel @p0 .LBB2_1-.Ltmp1, $4  }
0xfe: {  	[sflag:s3] =	ssyncset.done $0x0  }
0xff: {  	[sflag:s3] =	ssyncadd.s32 $0xFFFFC180  }
0x100: {  	[hbm4b:s30+s2] =	stream.linear.scatter [tilespmem:s9], [sflag:$0x3], $0x3E80, $0x38;
	[tilespmem:$0x8CA0] =	vst v63  }
0x101: {  	s31 =	sadd.s32 $0xFFFFFFFF, s31;
	_ =	swait.ge [sflag:s3], $0x3E80  }
.LBB2_2:
0x102: {  	[sflag:s3] =	ssyncset.done $0x0  }
0x103: {  	[sflag:s3] =	ssyncadd.s32 $0xFFFFC180  }
0x104: {  	_ =	sfence.sel $0x180000  }
0x105: {  	[bflag:$0x0] =	sbarrier.arrive $0xFFFF  }
0x106: {  	_ =	strace $0x90000047  }
0x107: {  	s0 =	stileid.u32;
	[bflag:$0x2] =	sbarrier.arrive $0xFFFF  }
0x108: {  	p0 =	sne.s32 s0, $0x0;
	s0 =	rddreg [dreg:$0x2]  }
0x109: {  	s0 =	sadd.s32 @!p0 $0x100000, s0  }
0x10a: {  	[sflag:s0] =	ssyncadd.tile.s32 @!p0 $0x1;
	_ =	shalt  }
.Lfunc_end2:
_tile_overlayer_lowered:
.L_overlay_start_2:
0x10b: {  	(tag) =	ssettag $0x2  }
0x10c: {  	s0 =	rddreg [dreg:$0x0];
	s2 =	stileid.u32  }
0x10d: {  	s1 =	rddreg [dreg:$0x1];
	p0 =	sne.s32 s2, $0x0  }
0x10e: {  	s3 =	rddreg [dreg:$0x2];
	[bflag:$0x3] =	sbarrier.arrive $0xFFFF;
	s2 =	simm.s32 @!p0 $0x1C03  }
0x10f: {  	[timem:s3], [sflag:s2] =	dma.local @!p0 [hbm:s0], s1  }
0x110: {  	s0 =	simm.s32 @!p0 $0x3  }
0x111: {  	_ =	swait.ge @!p0 [sflag:s0], s1  }
0x112: {  	s1 =	ssub.s32 @!p0 $0x0, s1;
	[sflag:s0] =	ssyncset.done @!p0 $0x0  }
0x113: {  	[sflag:s0] =	ssyncadd.s32 @!p0 s1  }
0x114: {  	[bflag:$0x3] =	sbarrier.arrive $0xFFFF  }
0x115: {  	_ =	shalt  }

</sc_bundles>
